<compile_context>
chip_gen: v7x
topology: tpu7x:2x2x1
jax: 0.10.2.dev20260603
libtpu: 0.0.44.dev20260713+nightly
codegen_flags: <defaults>
</compile_context>

<pallas_src>
import functools

import jax
import jax.numpy as jnp
import numpy as np
from jax import lax
from jax.experimental import pallas as pl
from jax.experimental.pallas import tpu as pltpu
from jax.experimental.pallas import tpu_sc as plsc

_B, _L = 2, 512
_K = 30
_NUM_RBF = 16
_NUM_PE = 16
_EDGE_F = 128
_MAXREL = 32
_TW = 128
_GW = _TW
_NPAIR = 25
_RBF_TOT = _NPAIR * _NUM_RBF

_ATOM = {"N": 0, "Ca": 1, "C": 2, "O": 3, "Cb": 4}
_PAIRS = [("Ca", "Ca"),
          ("N", "N"), ("C", "C"), ("O", "O"), ("Cb", "Cb"), ("Ca", "N"),
          ("Ca", "C"), ("Ca", "O"), ("Ca", "Cb"), ("N", "C"), ("N", "O"),
          ("N", "Cb"), ("Cb", "C"), ("Cb", "O"), ("O", "C"), ("N", "Ca"),
          ("C", "Ca"), ("O", "Ca"), ("Cb", "Ca"), ("C", "N"), ("O", "N"),
          ("Cb", "N"), ("C", "Cb"), ("O", "Cb"), ("C", "O")]


def _build_consts():
    sel = np.zeros((_TW + _GW, 3 * _NPAIR), dtype=np.float32)
    for p, (ai, aj) in enumerate(_PAIRS):
        for c in range(3):
            sel[3 * _ATOM[ai] + c, 3 * p + c] = 1.0
            sel[_TW + 3 * _ATOM[aj] + c, 3 * p + c] = -1.0
    t = np.zeros((3 * _NPAIR, _NPAIR), dtype=np.float32)
    r = np.zeros((_NPAIR, _RBF_TOT), dtype=np.float32)
    for p in range(_NPAIR):
        for c in range(3):
            t[3 * p + c, p] = 1.0
        for m in range(_NUM_RBF):
            r[p, p * _NUM_RBF + m] = 1.0
    mu = np.linspace(2.0, 22.0, _NUM_RBF).astype(np.float32)
    mu = np.tile(mu, _NPAIR).reshape(1, _RBF_TOT)
    return jnp.asarray(sel), jnp.asarray(t), jnp.asarray(r), jnp.asarray(mu)


def _fold_pos_table(pe_w, pe_b, ee_w):
    p = jnp.dot(pe_w + pe_b[None, :], ee_w[0:_NUM_PE, :],
                precision=lax.Precision.HIGHEST)
    return jnp.zeros((128, _EDGE_F), jnp.float32).at[0:2 * _MAXREL + 2].set(p)


def _topk_body(xr_ref, xt_ref, rid_ref, ch_ref, tab_ref, eidx_ref, d_ref):
    xr = xr_ref[0]
    n_a = xr[:, 0:3]
    ca = xr[:, 3:6]
    c_a = xr[:, 6:9]
    b_v = ca - n_a
    c_v = c_a - ca
    bx, by, bz = b_v[:, 0:1], b_v[:, 1:2], b_v[:, 2:3]
    cx, cy, cz = c_v[:, 0:1], c_v[:, 1:2], c_v[:, 2:3]
    a_v = jnp.concatenate(
        [by * cz - bz * cy, bz * cx - bx * cz, bx * cy - by * cx], axis=1)
    cb = -0.58273431 * a_v + 0.56802827 * b_v - 0.54067466 * c_v + ca

    rid = rid_ref[0]
    ch = ch_ref[0]
    pad = jnp.zeros((_L, _TW - 17), dtype=jnp.float32)
    tab_ref[0] = jnp.concatenate(
        [xr[:, 0:3], ca, xr[:, 6:12], cb, rid, ch, pad], axis=1)

    xt = xt_ref[0]
    d2 = jnp.zeros((_L, _L), dtype=jnp.float32)
    for c in range(3):
        dx = ca[:, c:c + 1] - xt[3 + c:4 + c, :]
        d2 = d2 + dx * dx
    d_ref[...] = jnp.sqrt(d2 + 1e-6)

    lane = lax.broadcasted_iota(jnp.int32, (_L, _L), 1)
    big = jnp.int32(1 << 20)
    for k in range(_K):
        d = d_ref[...]
        m = jnp.min(d, axis=1, keepdims=True)
        am = jnp.min(jnp.where(d == m, lane, big), axis=1, keepdims=True)
        eidx_ref[0, :, k:k + 1] = am
        d_ref[...] = jnp.where(lane == am, jnp.float32(jnp.inf), d)


def _stage_a(xr, xt, ridf, chf):
    return pl.pallas_call(
        _topk_body,
        grid=(_B,),
        in_specs=[
            pl.BlockSpec((1, _L, 12), lambda b: (b, 0, 0)),
            pl.BlockSpec((1, 12, _L), lambda b: (b, 0, 0)),
            pl.BlockSpec((1, _L, 1), lambda b: (b, 0, 0)),
            pl.BlockSpec((1, _L, 1), lambda b: (b, 0, 0)),
        ],
        out_specs=[
            pl.BlockSpec((1, _L, _TW), lambda b: (b, 0, 0)),
            pl.BlockSpec((1, _L, _K), lambda b: (b, 0, 0)),
        ],
        out_shape=[
            jax.ShapeDtypeStruct((_B, _L, _TW), jnp.float32),
            jax.ShapeDtypeStruct((_B, _L, _K), jnp.int32),
        ],
        scratch_shapes=[pltpu.VMEM((_L, _L), jnp.float32)],
    )(xr, xt, ridf, chf)


_NE = _B * _L * _K
_IDX_CH = 120
_N_CH = 8


def _sc_gather(tab_flat, gidx_j):
    info = plsc.get_sparse_core_info()
    nw = info.num_cores * info.num_subcores
    per_w = _NE // nw
    assert per_w == _IDX_CH * _N_CH

    mesh = plsc.VectorSubcoreMesh(core_axis_name="c", subcore_axis_name="s")

    @functools.partial(
        pl.kernel,
        out_type=jax.ShapeDtypeStruct((_NE, _GW), jnp.float32),
        mesh=mesh,
        scratch_types=[
            pltpu.VMEM((per_w,), jnp.int32),
            pltpu.VMEM((per_w, _TW), jnp.float32),
            pltpu.SemaphoreType.DMA,
        ],
    )
    def gather_k(tab_hbm, gj_hbm, oj_hbm, ij_v, rj_v, sem):
        wid = lax.axis_index("s") * info.num_cores + lax.axis_index("c")
        base = wid * per_w
        pltpu.sync_copy(gj_hbm.at[pl.ds(base, per_w)], ij_v)
        for c in range(_N_CH):
            sl = pl.ds(c * _IDX_CH, _IDX_CH)
            pltpu.async_copy(tab_hbm.at[ij_v.at[sl]], rj_v.at[sl], sem).wait()
        pltpu.sync_copy(rj_v, oj_hbm.at[pl.ds(base, per_w)])

    return gather_k(tab_flat, gidx_j)


_BLK = 1920
_RPB = _BLK // _K


def _split(x):
    hi = x.astype(jnp.bfloat16)
    lo = (x - hi.astype(jnp.float32)).astype(jnp.bfloat16)
    return hi, lo


def _bdot(a, b):
    return jnp.dot(a, b, preferred_element_type=jnp.float32)


def _dot2(a, b):
    ah, al = _split(a)
    bh, bl = _split(b)
    return _bdot(ah, bh) + _bdot(al, bh) + _bdot(ah, bl)


def _feat_body(tab_ref, gj_ref, sel_ref, t_ref, r_ref, mu_ref, posh_ref,
               posl_ref, eewh_ref, eewl_ref, lng_ref, lnb_ref, out_ref):
    row_of_edge = lax.broadcasted_iota(jnp.int32, (_BLK, _RPB), 0) // _K
    col = lax.broadcasted_iota(jnp.int32, (_BLK, _RPB), 1)
    rep = (row_of_edge == col).astype(jnp.bfloat16)
    tab_hi, tab_lo = _split(tab_ref[...])
    gi_hi = _bdot(rep, tab_hi)
    gi_lo = _bdot(rep, tab_lo)
    gi = gi_hi + gi_lo
    gj = gj_ref[...]
    gj_hi, gj_lo = _split(gj)
    sel = sel_ref[...].astype(jnp.bfloat16)
    gij_hi = jnp.concatenate([gi_hi.astype(jnp.bfloat16), gj_hi], axis=1)
    gij_lo = jnp.concatenate([gi_lo.astype(jnp.bfloat16), gj_lo], axis=1)
    dif = _bdot(gij_hi, sel) + _bdot(gij_lo, sel)
    sq = dif * dif
    sq_hi, sq_lo = _split(sq)
    t_b = t_ref[...].astype(jnp.bfloat16)
    d2_25 = _bdot(sq_hi, t_b) + _bdot(sq_lo, t_b)
    dist25 = jnp.sqrt(d2_25 + 1e-6)
    d25_hi, d25_lo = _split(dist25)
    r_b = r_ref[...].astype(jnp.bfloat16)
    dist = _bdot(d25_hi, r_b) + _bdot(d25_lo, r_b)
    z = (dist - mu_ref[...]) * jnp.float32(_NUM_RBF / 20.0)
    rbf = jnp.exp(-(z * z))

    rid_i = gi[:, 15:16]
    rid_j = gj[:, 15:16]
    same = (gi[:, 16:17] == gj[:, 16:17]).astype(jnp.float32)
    off = jnp.clip(rid_i - rid_j + _MAXREL, 0.0, 2.0 * _MAXREL)
    d_pe = off * same + (1.0 - same) * (2.0 * _MAXREL + 1.0)
    lane = lax.broadcasted_iota(jnp.int32, (_BLK, 128), 1)
    onehot = (lane == d_pe.astype(jnp.int32)).astype(jnp.bfloat16)
    e_posc = _bdot(onehot, posh_ref[...]) + _bdot(onehot, posl_ref[...])

    rbf_hi, rbf_lo = _split(rbf)
    e = (e_posc + _bdot(rbf_hi, eewh_ref[...]) + _bdot(rbf_lo, eewh_ref[...])
         + _bdot(rbf_hi, eewl_ref[...]))
    mu_e = jnp.mean(e, axis=1, keepdims=True)
    ec = e - mu_e
    var = jnp.mean(ec * ec, axis=1, keepdims=True)
    out_ref[...] = ec * jax.lax.rsqrt(var + 1e-5) * lng_ref[...] \
        + lnb_ref[...]


def _stage_c(tab_flat, gj, sel, t, r, mu, posh, posl, eewh, eewl, lng, lnb):
    nprog = _NE // _BLK
    return pl.pallas_call(
        _feat_body,
        grid=(nprog,),
        in_specs=[
            pl.BlockSpec((_RPB, _TW), lambda i: (i, 0)),
            pl.BlockSpec((_BLK, _GW), lambda i: (i, 0)),
            pl.BlockSpec((_TW + _GW, 3 * _NPAIR), lambda i: (0, 0)),
            pl.BlockSpec((3 * _NPAIR, _NPAIR), lambda i: (0, 0)),
            pl.BlockSpec((_NPAIR, _RBF_TOT), lambda i: (0, 0)),
            pl.BlockSpec((1, _RBF_TOT), lambda i: (0, 0)),
            pl.BlockSpec((128, _EDGE_F), lambda i: (0, 0)),
            pl.BlockSpec((128, _EDGE_F), lambda i: (0, 0)),
            pl.BlockSpec((_RBF_TOT, _EDGE_F), lambda i: (0, 0)),
            pl.BlockSpec((_RBF_TOT, _EDGE_F), lambda i: (0, 0)),
            pl.BlockSpec((1, _EDGE_F), lambda i: (0, 0)),
            pl.BlockSpec((1, _EDGE_F), lambda i: (0, 0)),
        ],
        out_specs=pl.BlockSpec((_BLK, _EDGE_F), lambda i: (i, 0)),
        out_shape=jax.ShapeDtypeStruct((_NE, _EDGE_F), jnp.float32),
    )(tab_flat, gj, sel, t, r, mu, posh, posl, eewh, eewl, lng, lnb)


def kernel(X, X_m, Y, Y_m, Z, Z_m, Z_t, mask, residue_idx,
           chain_encoding_all, pe_w, pe_b, ee_w, ln_g, ln_b):
    xr = X.reshape(_B, _L, 12)
    xt = jnp.swapaxes(xr, 1, 2)
    ridf = residue_idx.astype(jnp.float32).reshape(_B, _L, 1)
    chf = chain_encoding_all.astype(jnp.float32).reshape(_B, _L, 1)

    table, e_idx = _stage_a(xr, xt, ridf, chf)

    gidx_j = (e_idx + (jnp.arange(_B, dtype=jnp.int32) * _L)[:, None, None]
              ).reshape(_NE)
    tab_flat = table.reshape(_B * _L, _TW)

    gj = _sc_gather(tab_flat, gidx_j)

    sel, t, r, mu = _build_consts()
    pos_tab = _fold_pos_table(pe_w, pe_b, ee_w)
    posh, posl = _split(pos_tab)
    eewh, eewl = _split(ee_w[_NUM_PE:, :])
    e = _stage_c(tab_flat, gj, sel, t, r, mu, posh, posl, eewh, eewl,
                 ln_g.reshape(1, _EDGE_F), ln_b.reshape(1, _EDGE_F))
    return e.reshape(_B, _L, _K, _EDGE_F), e_idx

# --- scband reference (transcript-rebuilt; emitter-appended) ---
"""Pipeline reference for scband-protein-features-19997367730447 (READ-ONLY COPY).

The authoritative reference and input builder live on the scoring server;
editing this copy changes nothing except your own understanding.
"""

import jax, jax.numpy as jnp
import numpy as np

B, L = 2, 512
TOP_K = 30
NUM_RBF = 16
NUM_PE = 16
EDGE_F = 128
MAXREL = 32


def _gather_edges(edges, idx):
    nb = jnp.broadcast_to(idx[..., None], idx.shape + (edges.shape[-1],))
    return jnp.take_along_axis(edges, nb, axis=2)


def _rbf(D):
    mu = jnp.linspace(2.0, 22.0, NUM_RBF).reshape(1, 1, 1, -1)
    sigma = (22.0 - 2.0) / NUM_RBF
    return jnp.exp(-(((D[..., None] - mu) / sigma) ** 2))


def _get_rbf(A, Bm, E_idx):
    D = jnp.sqrt(jnp.sum((A[:, :, None, :] - Bm[:, None, :, :]) ** 2, -1) + 1e-6)
    Dn = _gather_edges(D[..., None], E_idx)[..., 0]
    return _rbf(Dn)


def _dist(Xc, mask, eps=1e-6):
    mask2 = mask[:, None, :] * mask[:, :, None]
    dX = Xc[:, None, :, :] - Xc[:, :, None, :]
    D = mask2 * jnp.sqrt(jnp.sum(dX ** 2, 3) + eps)
    D_max = jnp.max(D, -1, keepdims=True)
    D_adj = D + (1.0 - mask2) * D_max
    k = min(TOP_K, Xc.shape[1])
    negD, E_idx = jax.lax.top_k(-D_adj, k)
    D_neighbors = -negD
    mask_nb = _gather_edges(mask2[..., None], E_idx)
    return D_neighbors, E_idx, mask_nb


def setup_inputs(seed: int = 0):
    key = jax.random.key(seed)
    ks = [jax.random.fold_in(key, i) for i in range(8)]
    X = jax.random.normal(ks[0], (B, L, 4, 3), dtype=jnp.float32) * 4.0
    X_m = jnp.ones((B, L, 4), dtype=jnp.float32)
    Y = jax.random.normal(ks[1], (B, 128, 3), dtype=jnp.float32) * 4.0
    Y_m = jnp.ones((B, 128), dtype=jnp.float32)
    Z = jax.random.normal(ks[2], (B, 128, 3), dtype=jnp.float32) * 4.0
    Z_m = jnp.ones((B, 128), dtype=jnp.float32)
    Z_t = jax.random.randint(ks[3], (B, 128), 0, 26, dtype=jnp.int32)
    mask = jnp.ones((B, L), dtype=jnp.float32)
    residue_idx = jnp.arange(B * L, dtype=jnp.int32).reshape(B, L)
    chain_encoding_all = jnp.ones((B, L), dtype=jnp.int32)
    pe_w = jax.random.normal(ks[4], (2 * MAXREL + 2, NUM_PE), dtype=jnp.float32) * 0.05
    pe_b = jnp.zeros((NUM_PE,), dtype=jnp.float32)
    ee_w = jax.random.normal(ks[5], (NUM_PE + NUM_RBF * 25, EDGE_F), dtype=jnp.float32) * 0.05
    ln_g = jnp.ones((EDGE_F,), dtype=jnp.float32)
    ln_b = jnp.zeros((EDGE_F,), dtype=jnp.float32)
    return {"X": X, "X_m": X_m, "Y": Y, "Y_m": Y_m, "Z": Z, "Z_m": Z_m, "Z_t": Z_t, "mask": mask, "residue_idx": residue_idx, "chain_encoding_all": chain_encoding_all, "pe_w": pe_w, "pe_b": pe_b, "ee_w": ee_w, "ln_g": ln_g, "ln_b": ln_b}


def reference(X, X_m, Y, Y_m, Z, Z_m, Z_t, mask, residue_idx, chain_encoding_all, pe_w, pe_b, ee_w, ln_g, ln_b):
    b = X[:, :, 1, :] - X[:, :, 0, :]
    c = X[:, :, 2, :] - X[:, :, 1, :]
    a = jnp.cross(b, c, axis=-1)
    Cb = -0.58273431 * a + 0.56802827 * b - 0.54067466 * c + X[:, :, 1, :]
    Ca = X[:, :, 1, :]
    N = X[:, :, 0, :]
    C = X[:, :, 2, :]
    O = X[:, :, 3, :]
    D_neighbors, E_idx, mask_nb = _dist(Ca, mask)
    pairs = [(N, N), (C, C), (O, O), (Cb, Cb), (Ca, N), (Ca, C), (Ca, O), (Ca, Cb), (N, C), (N, O), (N, Cb), (Cb, C), (Cb, O), (O, C), (N, Ca), (C, Ca), (O, Ca), (Cb, Ca), (C, N), (O, N), (Cb, N), (C, Cb), (O, Cb), (C, O)]
    RBF_all = [_rbf(D_neighbors)] + [_get_rbf(A_, B_, E_idx) for (A_, B_) in pairs]
    RBF_all = jnp.concatenate(RBF_all, axis=-1)
    offset = residue_idx[:, :, None] - residue_idx[:, None, :]
    offset = _gather_edges(offset[:, :, :, None], E_idx)[:, :, :, 0]
    d_chains = (chain_encoding_all[:, :, None] - chain_encoding_all[:, None, :] == 0).astype(jnp.int32)
    E_chains = _gather_edges(d_chains[:, :, :, None], E_idx)[:, :, :, 0]
    d = jnp.clip(offset + MAXREL, 0, 2 * MAXREL) * E_chains + (1 - E_chains) * (2 * MAXREL + 1)
    d_onehot = jax.nn.one_hot(d, 2 * MAXREL + 2, dtype=jnp.float32)
    E_pos = d_onehot @ pe_w + pe_b
    E = jnp.concatenate([E_pos, RBF_all], axis=-1)
    E = E @ ee_w
    mu = jnp.mean(E, -1, keepdims=True)
    var = jnp.var(E, -1, keepdims=True)
    E = (E - mu) / jnp.sqrt(var + 1e-5) * ln_g + ln_b
    return E, E_idx

if __name__ == "__main__":
    import jax
    _d = setup_inputs()
    print(jax.jit(kernel)(*tuple(_d.values())))

</pallas_src>

<mosaic_0001>
#map = affine_map<(d0, d1) -> (0, 0)>
#map1 = affine_map<(d0, d1) -> (0)>
module attributes {stable_mosaic.version = 14 : i64} {
  func.func @gather_k(%arg0: i32, %arg1: i32, %arg2: memref<1024x128xf32, #tpu.memory_space<hbm>>, %arg3: memref<30720xi32, #tpu.memory_space<hbm>>, %arg4: memref<30720x128xf32, #tpu.memory_space<hbm>>, %arg5: memref<960xi32, #tpu.memory_space<vmem>>, %arg6: memref<960x128xf32, #tpu.memory_space<vmem>>, %arg7: memref<!tpu.dma_semaphore, #tpu.memory_space<semaphore_mem>>) attributes {dimension_semantics = [#tpu.dimension_semantics<core_parallel>, #tpu.dimension_semantics<subcore_parallel>], iteration_bounds = array<i64: 2, 16>, scalar_prefetch = 0 : i64, scratch_operands = 3 : i64, tpu.core_type = #tpu.core_type<sc_vector_subcore>, window_params = [{transform_indices = #map}, {transform_indices = #map1}, {transform_indices = #map}]} {
    %mul3A = arith.constant 2 : i32
    %mul3A_0 = arith.muli %arg1, %mul3A : i32
    %add3A = arith.addi %mul3A_0, %arg0 : i32
    %mul3A_1 = arith.constant 960 : i32
    %mul3A_2 = arith.muli %add3A, %mul3A_1 : i32
    "tpu.region"() ({
      %run_scoped3A = tpu.sem_alloc : memref<!tpu.dma_semaphore, #tpu.memory_space<semaphore_mem>>
      %dma_start3A_129 = tpu.memref_slice %arg3[%mul3A_2] : memref<30720xi32, #tpu.memory_space<hbm>> -> memref<960xi32, #tpu.memory_space<hbm>>
      %dma_start3A_130 = tpu.memref_slice %arg3[%mul3A_2] : memref<30720xi32, #tpu.memory_space<hbm>> -> memref<960xi32, #tpu.memory_space<hbm>>
      tpu.enqueue_dma source(%dma_start3A_130 : memref<960xi32, #tpu.memory_space<hbm>>) target(%arg5 : memref<960xi32, #tpu.memory_space<vmem>>) target_semaphore(%run_scoped3A : memref<!tpu.dma_semaphore, #tpu.memory_space<semaphore_mem>>)
      %dma_wait3A_131 = tpu.memref_slice %arg3[%mul3A_2] : memref<30720xi32, #tpu.memory_space<hbm>> -> memref<960xi32, #tpu.memory_space<hbm>>
      %dma_wait3A_132 = tpu.memref_slice %arg3[%mul3A_2] : memref<30720xi32, #tpu.memory_space<hbm>> -> memref<960xi32, #tpu.memory_space<hbm>>
      tpu.wait_dma2 semaphore(%run_scoped3A : memref<!tpu.dma_semaphore, #tpu.memory_space<semaphore_mem>>) src(%dma_wait3A_132 : memref<960xi32, #tpu.memory_space<hbm>>) dst(%arg5 : memref<960xi32, #tpu.memory_space<vmem>>)
      tpu.yield
    }) : () -> ()
    %dma_start3A = arith.constant 0 : i32
    %dma_start3A_3 = arith.constant 0 : i32
    %dma_start3A_4 = tpu.memref_slice %arg6[%dma_start3A, %dma_start3A_3] : memref<960x128xf32, #tpu.memory_space<vmem>> -> memref<120x128xf32, #tpu.memory_space<vmem>>
    %dma_start3A_5 = arith.constant 0 : i32
    %dma_start3A_6 = tpu.memref_slice %arg5[%dma_start3A_5] : memref<960xi32, #tpu.memory_space<vmem>> -> memref<120xi32, #tpu.memory_space<vmem>>
    %dma_start3A_7 = arith.constant 0 : i32
    %dma_start3A_8 = arith.constant 0 : i32
    %dma_start3A_9 = tpu.memref_slice %arg2[%dma_start3A_7, %dma_start3A_8] : memref<1024x128xf32, #tpu.memory_space<hbm>> -> memref<1024x128xf32, #tpu.memory_space<hbm>>
    tpu.enqueue_indirect_dma source(%dma_start3A_9 : memref<1024x128xf32, #tpu.memory_space<hbm>>) target(%dma_start3A_4 : memref<120x128xf32, #tpu.memory_space<vmem>>) offsets(%dma_start3A_6 : memref<120xi32, #tpu.memory_space<vmem>>) semaphore(%arg7 : memref<!tpu.dma_semaphore, #tpu.memory_space<semaphore_mem>>)
    %dma_wait3A = arith.constant 0 : i32
    %dma_wait3A_10 = arith.constant 0 : i32
    %dma_wait3A_11 = tpu.memref_slice %arg6[%dma_wait3A, %dma_wait3A_10] : memref<960x128xf32, #tpu.memory_space<vmem>> -> memref<120x128xf32, #tpu.memory_space<vmem>>
    %dma_wait3A_12 = arith.constant 0 : i32
    %dma_wait3A_13 = tpu.memref_slice %arg5[%dma_wait3A_12] : memref<960xi32, #tpu.memory_space<vmem>> -> memref<120xi32, #tpu.memory_space<vmem>>
    %dma_wait3A_14 = arith.constant 0 : i32
    %dma_wait3A_15 = arith.constant 0 : i32
    %dma_wait3A_16 = tpu.memref_slice %arg2[%dma_wait3A_14, %dma_wait3A_15] : memref<1024x128xf32, #tpu.memory_space<hbm>> -> memref<1024x128xf32, #tpu.memory_space<hbm>>
    tpu.wait_indirect_dma semaphore(%arg7 : memref<!tpu.dma_semaphore, #tpu.memory_space<semaphore_mem>>) src(%dma_wait3A_16 : memref<1024x128xf32, #tpu.memory_space<hbm>>) dst(%dma_wait3A_11 : memref<120x128xf32, #tpu.memory_space<vmem>>)
    %dma_start3A_17 = arith.constant 120 : i32
    %dma_start3A_18 = arith.constant 0 : i32
    %dma_start3A_19 = tpu.memref_slice %arg6[%dma_start3A_17, %dma_start3A_18] : memref<960x128xf32, #tpu.memory_space<vmem>> -> memref<120x128xf32, #tpu.memory_space<vmem>>
    %dma_start3A_20 = arith.constant 120 : i32
    %dma_start3A_21 = tpu.memref_slice %arg5[%dma_start3A_20] : memref<960xi32, #tpu.memory_space<vmem>> -> memref<120xi32, #tpu.memory_space<vmem>>
    %dma_start3A_22 = arith.constant 0 : i32
    %dma_start3A_23 = arith.constant 0 : i32
    %dma_start3A_24 = tpu.memref_slice %arg2[%dma_start3A_22, %dma_start3A_23] : memref<1024x128xf32, #tpu.memory_space<hbm>> -> memref<1024x128xf32, #tpu.memory_space<hbm>>
    tpu.enqueue_indirect_dma source(%dma_start3A_24 : memref<1024x128xf32, #tpu.memory_space<hbm>>) target(%dma_start3A_19 : memref<120x128xf32, #tpu.memory_space<vmem>>) offsets(%dma_start3A_21 : memref<120xi32, #tpu.memory_space<vmem>>) semaphore(%arg7 : memref<!tpu.dma_semaphore, #tpu.memory_space<semaphore_mem>>)
    %dma_wait3A_25 = arith.constant 120 : i32
    %dma_wait3A_26 = arith.constant 0 : i32
    %dma_wait3A_27 = tpu.memref_slice %arg6[%dma_wait3A_25, %dma_wait3A_26] : memref<960x128xf32, #tpu.memory_space<vmem>> -> memref<120x128xf32, #tpu.memory_space<vmem>>
    %dma_wait3A_28 = arith.constant 120 : i32
    %dma_wait3A_29 = tpu.memref_slice %arg5[%dma_wait3A_28] : memref<960xi32, #tpu.memory_space<vmem>> -> memref<120xi32, #tpu.memory_space<vmem>>
    %dma_wait3A_30 = arith.constant 0 : i32
    %dma_wait3A_31 = arith.constant 0 : i32
    %dma_wait3A_32 = tpu.memref_slice %arg2[%dma_wait3A_30, %dma_wait3A_31] : memref<1024x128xf32, #tpu.memory_space<hbm>> -> memref<1024x128xf32, #tpu.memory_space<hbm>>
    tpu.wait_indirect_dma semaphore(%arg7 : memref<!tpu.dma_semaphore, #tpu.memory_space<semaphore_mem>>) src(%dma_wait3A_32 : memref<1024x128xf32, #tpu.memory_space<hbm>>) dst(%dma_wait3A_27 : memref<120x128xf32, #tpu.memory_space<vmem>>)
    %dma_start3A_33 = arith.constant 240 : i32
    %dma_start3A_34 = arith.constant 0 : i32
    %dma_start3A_35 = tpu.memref_slice %arg6[%dma_start3A_33, %dma_start3A_34] : memref<960x128xf32, #tpu.memory_space<vmem>> -> memref<120x128xf32, #tpu.memory_space<vmem>>
    %dma_start3A_36 = arith.constant 240 : i32
    %dma_start3A_37 = tpu.memref_slice %arg5[%dma_start3A_36] : memref<960xi32, #tpu.memory_space<vmem>> -> memref<120xi32, #tpu.memory_space<vmem>>
    %dma_start3A_38 = arith.constant 0 : i32
    %dma_start3A_39 = arith.constant 0 : i32
    %dma_start3A_40 = tpu.memref_slice %arg2[%dma_start3A_38, %dma_start3A_39] : memref<1024x128xf32, #tpu.memory_space<hbm>> -> memref<1024x128xf32, #tpu.memory_space<hbm>>
    tpu.enqueue_indirect_dma source(%dma_start3A_40 : memref<1024x128xf32, #tpu.memory_space<hbm>>) target(%dma_start3A_35 : memref<120x128xf32, #tpu.memory_space<vmem>>) offsets(%dma_start3A_37 : memref<120xi32, #tpu.memory_space<vmem>>) semaphore(%arg7 : memref<!tpu.dma_semaphore, #tpu.memory_space<semaphore_mem>>)
    %dma_wait3A_41 = arith.constant 240 : i32
    %dma_wait3A_42 = arith.constant 0 : i32
    %dma_wait3A_43 = tpu.memref_slice %arg6[%dma_wait3A_41, %dma_wait3A_42] : memref<960x128xf32, #tpu.memory_space<vmem>> -> memref<120x128xf32, #tpu.memory_space<vmem>>
    %dma_wait3A_44 = arith.constant 240 : i32
    %dma_wait3A_45 = tpu.memref_slice %arg5[%dma_wait3A_44] : memref<960xi32, #tpu.memory_space<vmem>> -> memref<120xi32, #tpu.memory_space<vmem>>
    %dma_wait3A_46 = arith.constant 0 : i32
    %dma_wait3A_47 = arith.constant 0 : i32
    %dma_wait3A_48 = tpu.memref_slice %arg2[%dma_wait3A_46, %dma_wait3A_47] : memref<1024x128xf32, #tpu.memory_space<hbm>> -> memref<1024x128xf32, #tpu.memory_space<hbm>>
    tpu.wait_indirect_dma semaphore(%arg7 : memref<!tpu.dma_semaphore, #tpu.memory_space<semaphore_mem>>) src(%dma_wait3A_48 : memref<1024x128xf32, #tpu.memory_space<hbm>>) dst(%dma_wait3A_43 : memref<120x128xf32, #tpu.memory_space<vmem>>)
    %dma_start3A_49 = arith.constant 360 : i32
    %dma_start3A_50 = arith.constant 0 : i32
    %dma_start3A_51 = tpu.memref_slice %arg6[%dma_start3A_49, %dma_start3A_50] : memref<960x128xf32, #tpu.memory_space<vmem>> -> memref<120x128xf32, #tpu.memory_space<vmem>>
    %dma_start3A_52 = arith.constant 360 : i32
    %dma_start3A_53 = tpu.memref_slice %arg5[%dma_start3A_52] : memref<960xi32, #tpu.memory_space<vmem>> -> memref<120xi32, #tpu.memory_space<vmem>>
    %dma_start3A_54 = arith.constant 0 : i32
    %dma_start3A_55 = arith.constant 0 : i32
    %dma_start3A_56 = tpu.memref_slice %arg2[%dma_start3A_54, %dma_start3A_55] : memref<1024x128xf32, #tpu.memory_space<hbm>> -> memref<1024x128xf32, #tpu.memory_space<hbm>>
    tpu.enqueue_indirect_dma source(%dma_start3A_56 : memref<1024x128xf32, #tpu.memory_space<hbm>>) target(%dma_start3A_51 : memref<120x128xf32, #tpu.memory_space<vmem>>) offsets(%dma_start3A_53 : memref<120xi32, #tpu.memory_space<vmem>>) semaphore(%arg7 : memref<!tpu.dma_semaphore, #tpu.memory_space<semaphore_mem>>)
    %dma_wait3A_57 = arith.constant 360 : i32
    %dma_wait3A_58 = arith.constant 0 : i32
    %dma_wait3A_59 = tpu.memref_slice %arg6[%dma_wait3A_57, %dma_wait3A_58] : memref<960x128xf32, #tpu.memory_space<vmem>> -> memref<120x128xf32, #tpu.memory_space<vmem>>
    %dma_wait3A_60 = arith.constant 360 : i32
    %dma_wait3A_61 = tpu.memref_slice %arg5[%dma_wait3A_60] : memref<960xi32, #tpu.memory_space<vmem>> -> memref<120xi32, #tpu.memory_space<vmem>>
    %dma_wait3A_62 = arith.constant 0 : i32
    %dma_wait3A_63 = arith.constant 0 : i32
    %dma_wait3A_64 = tpu.memref_slice %arg2[%dma_wait3A_62, %dma_wait3A_63] : memref<1024x128xf32, #tpu.memory_space<hbm>> -> memref<1024x128xf32, #tpu.memory_space<hbm>>
    tpu.wait_indirect_dma semaphore(%arg7 : memref<!tpu.dma_semaphore, #tpu.memory_space<semaphore_mem>>) src(%dma_wait3A_64 : memref<1024x128xf32, #tpu.memory_space<hbm>>) dst(%dma_wait3A_59 : memref<120x128xf32, #tpu.memory_space<vmem>>)
    %dma_start3A_65 = arith.constant 480 : i32
    %dma_start3A_66 = arith.constant 0 : i32
    %dma_start3A_67 = tpu.memref_slice %arg6[%dma_start3A_65, %dma_start3A_66] : memref<960x128xf32, #tpu.memory_space<vmem>> -> memref<120x128xf32, #tpu.memory_space<vmem>>
    %dma_start3A_68 = arith.constant 480 : i32
    %dma_start3A_69 = tpu.memref_slice %arg5[%dma_start3A_68] : memref<960xi32, #tpu.memory_space<vmem>> -> memref<120xi32, #tpu.memory_space<vmem>>
    %dma_start3A_70 = arith.constant 0 : i32
    %dma_start3A_71 = arith.constant 0 : i32
    %dma_start3A_72 = tpu.memref_slice %arg2[%dma_start3A_70, %dma_start3A_71] : memref<1024x128xf32, #tpu.memory_space<hbm>> -> memref<1024x128xf32, #tpu.memory_space<hbm>>
    tpu.enqueue_indirect_dma source(%dma_start3A_72 : memref<1024x128xf32, #tpu.memory_space<hbm>>) target(%dma_start3A_67 : memref<120x128xf32, #tpu.memory_space<vmem>>) offsets(%dma_start3A_69 : memref<120xi32, #tpu.memory_space<vmem>>) semaphore(%arg7 : memref<!tpu.dma_semaphore, #tpu.memory_space<semaphore_mem>>)
    %dma_wait3A_73 = arith.constant 480 : i32
    %dma_wait3A_74 = arith.constant 0 : i32
    %dma_wait3A_75 = tpu.memref_slice %arg6[%dma_wait3A_73, %dma_wait3A_74] : memref<960x128xf32, #tpu.memory_space<vmem>> -> memref<120x128xf32, #tpu.memory_space<vmem>>
    %dma_wait3A_76 = arith.constant 480 : i32
    %dma_wait3A_77 = tpu.memref_slice %arg5[%dma_wait3A_76] : memref<960xi32, #tpu.memory_space<vmem>> -> memref<120xi32, #tpu.memory_space<vmem>>
    %dma_wait3A_78 = arith.constant 0 : i32
    %dma_wait3A_79 = arith.constant 0 : i32
    %dma_wait3A_80 = tpu.memref_slice %arg2[%dma_wait3A_78, %dma_wait3A_79] : memref<1024x128xf32, #tpu.memory_space<hbm>> -> memref<1024x128xf32, #tpu.memory_space<hbm>>
    tpu.wait_indirect_dma semaphore(%arg7 : memref<!tpu.dma_semaphore, #tpu.memory_space<semaphore_mem>>) src(%dma_wait3A_80 : memref<1024x128xf32, #tpu.memory_space<hbm>>) dst(%dma_wait3A_75 : memref<120x128xf32, #tpu.memory_space<vmem>>)
    %dma_start3A_81 = arith.constant 600 : i32
    %dma_start3A_82 = arith.constant 0 : i32
    %dma_start3A_83 = tpu.memref_slice %arg6[%dma_start3A_81, %dma_start3A_82] : memref<960x128xf32, #tpu.memory_space<vmem>> -> memref<120x128xf32, #tpu.memory_space<vmem>>
    %dma_start3A_84 = arith.constant 600 : i32
    %dma_start3A_85 = tpu.memref_slice %arg5[%dma_start3A_84] : memref<960xi32, #tpu.memory_space<vmem>> -> memref<120xi32, #tpu.memory_space<vmem>>
    %dma_start3A_86 = arith.constant 0 : i32
    %dma_start3A_87 = arith.constant 0 : i32
    %dma_start3A_88 = tpu.memref_slice %arg2[%dma_start3A_86, %dma_start3A_87] : memref<1024x128xf32, #tpu.memory_space<hbm>> -> memref<1024x128xf32, #tpu.memory_space<hbm>>
    tpu.enqueue_indirect_dma source(%dma_start3A_88 : memref<1024x128xf32, #tpu.memory_space<hbm>>) target(%dma_start3A_83 : memref<120x128xf32, #tpu.memory_space<vmem>>) offsets(%dma_start3A_85 : memref<120xi32, #tpu.memory_space<vmem>>) semaphore(%arg7 : memref<!tpu.dma_semaphore, #tpu.memory_space<semaphore_mem>>)
    %dma_wait3A_89 = arith.constant 600 : i32
    %dma_wait3A_90 = arith.constant 0 : i32
    %dma_wait3A_91 = tpu.memref_slice %arg6[%dma_wait3A_89, %dma_wait3A_90] : memref<960x128xf32, #tpu.memory_space<vmem>> -> memref<120x128xf32, #tpu.memory_space<vmem>>
    %dma_wait3A_92 = arith.constant 600 : i32
    %dma_wait3A_93 = tpu.memref_slice %arg5[%dma_wait3A_92] : memref<960xi32, #tpu.memory_space<vmem>> -> memref<120xi32, #tpu.memory_space<vmem>>
    %dma_wait3A_94 = arith.constant 0 : i32
    %dma_wait3A_95 = arith.constant 0 : i32
    %dma_wait3A_96 = tpu.memref_slice %arg2[%dma_wait3A_94, %dma_wait3A_95] : memref<1024x128xf32, #tpu.memory_space<hbm>> -> memref<1024x128xf32, #tpu.memory_space<hbm>>
    tpu.wait_indirect_dma semaphore(%arg7 : memref<!tpu.dma_semaphore, #tpu.memory_space<semaphore_mem>>) src(%dma_wait3A_96 : memref<1024x128xf32, #tpu.memory_space<hbm>>) dst(%dma_wait3A_91 : memref<120x128xf32, #tpu.memory_space<vmem>>)
    %dma_start3A_97 = arith.constant 720 : i32
    %dma_start3A_98 = arith.constant 0 : i32
    %dma_start3A_99 = tpu.memref_slice %arg6[%dma_start3A_97, %dma_start3A_98] : memref<960x128xf32, #tpu.memory_space<vmem>> -> memref<120x128xf32, #tpu.memory_space<vmem>>
    %dma_start3A_100 = arith.constant 720 : i32
    %dma_start3A_101 = tpu.memref_slice %arg5[%dma_start3A_100] : memref<960xi32, #tpu.memory_space<vmem>> -> memref<120xi32, #tpu.memory_space<vmem>>
    %dma_start3A_102 = arith.constant 0 : i32
    %dma_start3A_103 = arith.constant 0 : i32
    %dma_start3A_104 = tpu.memref_slice %arg2[%dma_start3A_102, %dma_start3A_103] : memref<1024x128xf32, #tpu.memory_space<hbm>> -> memref<1024x128xf32, #tpu.memory_space<hbm>>
    tpu.enqueue_indirect_dma source(%dma_start3A_104 : memref<1024x128xf32, #tpu.memory_space<hbm>>) target(%dma_start3A_99 : memref<120x128xf32, #tpu.memory_space<vmem>>) offsets(%dma_start3A_101 : memref<120xi32, #tpu.memory_space<vmem>>) semaphore(%arg7 : memref<!tpu.dma_semaphore, #tpu.memory_space<semaphore_mem>>)
    %dma_wait3A_105 = arith.constant 720 : i32
    %dma_wait3A_106 = arith.constant 0 : i32
    %dma_wait3A_107 = tpu.memref_slice %arg6[%dma_wait3A_105, %dma_wait3A_106] : memref<960x128xf32, #tpu.memory_space<vmem>> -> memref<120x128xf32, #tpu.memory_space<vmem>>
    %dma_wait3A_108 = arith.constant 720 : i32
    %dma_wait3A_109 = tpu.memref_slice %arg5[%dma_wait3A_108] : memref<960xi32, #tpu.memory_space<vmem>> -> memref<120xi32, #tpu.memory_space<vmem>>
    %dma_wait3A_110 = arith.constant 0 : i32
    %dma_wait3A_111 = arith.constant 0 : i32
    %dma_wait3A_112 = tpu.memref_slice %arg2[%dma_wait3A_110, %dma_wait3A_111] : memref<1024x128xf32, #tpu.memory_space<hbm>> -> memref<1024x128xf32, #tpu.memory_space<hbm>>
    tpu.wait_indirect_dma semaphore(%arg7 : memref<!tpu.dma_semaphore, #tpu.memory_space<semaphore_mem>>) src(%dma_wait3A_112 : memref<1024x128xf32, #tpu.memory_space<hbm>>) dst(%dma_wait3A_107 : memref<120x128xf32, #tpu.memory_space<vmem>>)
    %dma_start3A_113 = arith.constant 840 : i32
    %dma_start3A_114 = arith.constant 0 : i32
    %dma_start3A_115 = tpu.memref_slice %arg6[%dma_start3A_113, %dma_start3A_114] : memref<960x128xf32, #tpu.memory_space<vmem>> -> memref<120x128xf32, #tpu.memory_space<vmem>>
    %dma_start3A_116 = arith.constant 840 : i32
    %dma_start3A_117 = tpu.memref_slice %arg5[%dma_start3A_116] : memref<960xi32, #tpu.memory_space<vmem>> -> memref<120xi32, #tpu.memory_space<vmem>>
    %dma_start3A_118 = arith.constant 0 : i32
    %dma_start3A_119 = arith.constant 0 : i32
    %dma_start3A_120 = tpu.memref_slice %arg2[%dma_start3A_118, %dma_start3A_119] : memref<1024x128xf32, #tpu.memory_space<hbm>> -> memref<1024x128xf32, #tpu.memory_space<hbm>>
    tpu.enqueue_indirect_dma source(%dma_start3A_120 : memref<1024x128xf32, #tpu.memory_space<hbm>>) target(%dma_start3A_115 : memref<120x128xf32, #tpu.memory_space<vmem>>) offsets(%dma_start3A_117 : memref<120xi32, #tpu.memory_space<vmem>>) semaphore(%arg7 : memref<!tpu.dma_semaphore, #tpu.memory_space<semaphore_mem>>)
    %dma_wait3A_121 = arith.constant 840 : i32
    %dma_wait3A_122 = arith.constant 0 : i32
    %dma_wait3A_123 = tpu.memref_slice %arg6[%dma_wait3A_121, %dma_wait3A_122] : memref<960x128xf32, #tpu.memory_space<vmem>> -> memref<120x128xf32, #tpu.memory_space<vmem>>
    %dma_wait3A_124 = arith.constant 840 : i32
    %dma_wait3A_125 = tpu.memref_slice %arg5[%dma_wait3A_124] : memref<960xi32, #tpu.memory_space<vmem>> -> memref<120xi32, #tpu.memory_space<vmem>>
    %dma_wait3A_126 = arith.constant 0 : i32
    %dma_wait3A_127 = arith.constant 0 : i32
    %dma_wait3A_128 = tpu.memref_slice %arg2[%dma_wait3A_126, %dma_wait3A_127] : memref<1024x128xf32, #tpu.memory_space<hbm>> -> memref<1024x128xf32, #tpu.memory_space<hbm>>
    tpu.wait_indirect_dma semaphore(%arg7 : memref<!tpu.dma_semaphore, #tpu.memory_space<semaphore_mem>>) src(%dma_wait3A_128 : memref<1024x128xf32, #tpu.memory_space<hbm>>) dst(%dma_wait3A_123 : memref<120x128xf32, #tpu.memory_space<vmem>>)
    "tpu.region"() ({
      %run_scoped3A = tpu.sem_alloc : memref<!tpu.dma_semaphore, #tpu.memory_space<semaphore_mem>>
      %dma_start3A_129 = arith.constant 0 : i32
      %dma_start3A_130 = tpu.memref_slice %arg4[%mul3A_2, %dma_start3A_129] : memref<30720x128xf32, #tpu.memory_space<hbm>> -> memref<960x128xf32, #tpu.memory_space<hbm>>
      %dma_start3A_131 = arith.constant 0 : i32
      %dma_start3A_132 = tpu.memref_slice %arg4[%mul3A_2, %dma_start3A_131] : memref<30720x128xf32, #tpu.memory_space<hbm>> -> memref<960x128xf32, #tpu.memory_space<hbm>>
      tpu.enqueue_dma source(%arg6 : memref<960x128xf32, #tpu.memory_space<vmem>>) target(%dma_start3A_132 : memref<960x128xf32, #tpu.memory_space<hbm>>) target_semaphore(%run_scoped3A : memref<!tpu.dma_semaphore, #tpu.memory_space<semaphore_mem>>)
      %dma_wait3A_133 = arith.constant 0 : i32
      %dma_wait3A_134 = tpu.memref_slice %arg4[%mul3A_2, %dma_wait3A_133] : memref<30720x128xf32, #tpu.memory_space<hbm>> -> memref<960x128xf32, #tpu.memory_space<hbm>>
      %dma_wait3A_135 = arith.constant 0 : i32
      %dma_wait3A_136 = tpu.memref_slice %arg4[%mul3A_2, %dma_wait3A_135] : memref<30720x128xf32, #tpu.memory_space<hbm>> -> memref<960x128xf32, #tpu.memory_space<hbm>>
      tpu.wait_dma2 semaphore(%run_scoped3A : memref<!tpu.dma_semaphore, #tpu.memory_space<semaphore_mem>>) src(%arg6 : memref<960x128xf32, #tpu.memory_space<vmem>>) dst(%dma_wait3A_136 : memref<960x128xf32, #tpu.memory_space<hbm>>)
      tpu.yield
    }) : () -> ()
    return
  }
}

module attributes {stable_mosaic.version = 14 : i64} {
  func.func @_topk_body(%arg0: i32, %arg1: memref<1x512x12xf32, #tpu.memory_space<vmem>>, %arg2: memref<1x12x512xf32, #tpu.memory_space<vmem>>, %arg3: memref<1x512x1xf32, #tpu.memory_space<vmem>>, %arg4: memref<1x512x1xf32, #tpu.memory_space<vmem>>, %arg5: memref<1x512x128xf32, #tpu.memory_space<vmem>>, %arg6: memref<1x512x30xi32, #tpu.memory_space<vmem>>, %arg7: memref<512x512xf32, #tpu.memory_space<vmem>>) attributes {dimension_semantics = [#tpu.dimension_semantics<arbitrary>], iteration_bounds = array<i64: 2>, scalar_prefetch = 0 : i64, scratch_operands = 1 : i64, tpu.core_type = #tpu.core_type<tc>, window_params = [{transform_indices = @transform_0, window_bounds = array<i64: 1, 512, 12>}, {transform_indices = @transform_1, window_bounds = array<i64: 1, 12, 512>}, {transform_indices = @transform_2, window_bounds = array<i64: 1, 512, 1>}, {transform_indices = @transform_3, window_bounds = array<i64: 1, 512, 1>}, {transform_indices = @transform_4, window_bounds = array<i64: 1, 512, 128>}, {transform_indices = @transform_5, window_bounds = array<i64: 1, 512, 30>}]} {
    %get3A = arith.constant 0 : index
    %get3A_0 = arith.constant 0 : index
    %get3A_1 = arith.constant 0 : index
    %get3A_2 = vector.load %arg1[%get3A, %get3A_0, %get3A_1] : memref<1x512x12xf32, #tpu.memory_space<vmem>>, vector<1x512x12xf32>
    %get3A_3 = vector.shape_cast %get3A_2 : vector<1x512x12xf32> to vector<512x12xf32>
    %slice3A = vector.extract_strided_slice %get3A_3 {offsets = [0, 0], sizes = [512, 3], strides = [1, 1]} : vector<512x12xf32> to vector<512x3xf32>
    %slice3A_4 = vector.extract_strided_slice %get3A_3 {offsets = [0, 3], sizes = [512, 3], strides = [1, 1]} : vector<512x12xf32> to vector<512x3xf32>
    %slice3A_5 = vector.extract_strided_slice %get3A_3 {offsets = [0, 6], sizes = [512, 3], strides = [1, 1]} : vector<512x12xf32> to vector<512x3xf32>
    %sub3A = arith.subf %slice3A_4, %slice3A : vector<512x3xf32>
    %sub3A_6 = arith.subf %slice3A_5, %slice3A_4 : vector<512x3xf32>
    %slice3A_7 = vector.extract_strided_slice %sub3A {offsets = [0, 0], sizes = [512, 1], strides = [1, 1]} : vector<512x3xf32> to vector<512x1xf32>
    %slice3A_8 = vector.extract_strided_slice %sub3A {offsets = [0, 1], sizes = [512, 1], strides = [1, 1]} : vector<512x3xf32> to vector<512x1xf32>
    %slice3A_9 = vector.extract_strided_slice %sub3A {offsets = [0, 2], sizes = [512, 1], strides = [1, 1]} : vector<512x3xf32> to vector<512x1xf32>
    %slice3A_10 = vector.extract_strided_slice %sub3A_6 {offsets = [0, 0], sizes = [512, 1], strides = [1, 1]} : vector<512x3xf32> to vector<512x1xf32>
    %slice3A_11 = vector.extract_strided_slice %sub3A_6 {offsets = [0, 1], sizes = [512, 1], strides = [1, 1]} : vector<512x3xf32> to vector<512x1xf32>
    %slice3A_12 = vector.extract_strided_slice %sub3A_6 {offsets = [0, 2], sizes = [512, 1], strides = [1, 1]} : vector<512x3xf32> to vector<512x1xf32>
    %mul3A = arith.mulf %slice3A_8, %slice3A_12 : vector<512x1xf32>
    %mul3A_13 = arith.mulf %slice3A_9, %slice3A_11 : vector<512x1xf32>
    %sub3A_14 = arith.subf %mul3A, %mul3A_13 : vector<512x1xf32>
    %mul3A_15 = arith.mulf %slice3A_9, %slice3A_10 : vector<512x1xf32>
    %mul3A_16 = arith.mulf %slice3A_7, %slice3A_12 : vector<512x1xf32>
    %sub3A_17 = arith.subf %mul3A_15, %mul3A_16 : vector<512x1xf32>
    %mul3A_18 = arith.mulf %slice3A_7, %slice3A_11 : vector<512x1xf32>
    %mul3A_19 = arith.mulf %slice3A_8, %slice3A_10 : vector<512x1xf32>
    %sub3A_20 = arith.subf %mul3A_18, %mul3A_19 : vector<512x1xf32>
    %concatenate3A = tpu.concatenate %sub3A_14, %sub3A_17, %sub3A_20 in 1 : vector<512x1xf32>, vector<512x1xf32>, vector<512x1xf32> -> vector<512x3xf32>
    %mul3A_21 = arith.constant -0.582734287 : f32
    %mul3A_22 = vector.broadcast %mul3A_21 : f32 to vector<512x3xf32>
    %mul3A_23 = arith.mulf %mul3A_22, %concatenate3A : vector<512x3xf32>
    %mul3A_24 = arith.constant 0.568028271 : f32
    %mul3A_25 = vector.broadcast %mul3A_24 : f32 to vector<512x3xf32>
    %mul3A_26 = arith.mulf %mul3A_25, %sub3A : vector<512x3xf32>
    %add3A = arith.addf %mul3A_23, %mul3A_26 : vector<512x3xf32>
    %mul3A_27 = arith.constant 0.540674686 : f32
    %mul3A_28 = vector.broadcast %mul3A_27 : f32 to vector<512x3xf32>
    %mul3A_29 = arith.mulf %mul3A_28, %sub3A_6 : vector<512x3xf32>
    %sub3A_30 = arith.subf %add3A, %mul3A_29 : vector<512x3xf32>
    %add3A_31 = arith.addf %sub3A_30, %slice3A_4 : vector<512x3xf32>
    %get3A_32 = arith.constant 0 : index
    %get3A_33 = arith.constant 0 : index
    %get3A_34 = arith.constant 0 : index
    %get3A_35 = vector.load %arg3[%get3A_32, %get3A_33, %get3A_34] : memref<1x512x1xf32, #tpu.memory_space<vmem>>, vector<1x512x1xf32>
    %get3A_36 = vector.shape_cast %get3A_35 : vector<1x512x1xf32> to vector<512x1xf32>
    %get3A_37 = arith.constant 0 : index
    %get3A_38 = arith.constant 0 : index
    %get3A_39 = arith.constant 0 : index
    %get3A_40 = vector.load %arg4[%get3A_37, %get3A_38, %get3A_39] : memref<1x512x1xf32, #tpu.memory_space<vmem>>, vector<1x512x1xf32>
    %get3A_41 = vector.shape_cast %get3A_40 : vector<1x512x1xf32> to vector<512x1xf32>
    %broadcast_in_dim3A = arith.constant 0.000000e+00 : f32
    %broadcast_in_dim3A_42 = vector.broadcast %broadcast_in_dim3A : f32 to vector<512x111xf32>
    %slice3A_43 = vector.extract_strided_slice %get3A_3 {offsets = [0, 0], sizes = [512, 3], strides = [1, 1]} : vector<512x12xf32> to vector<512x3xf32>
    %slice3A_44 = vector.extract_strided_slice %get3A_3 {offsets = [0, 6], sizes = [512, 6], strides = [1, 1]} : vector<512x12xf32> to vector<512x6xf32>
    %concatenate3A_45 = tpu.concatenate %slice3A_43, %slice3A_4, %slice3A_44, %add3A_31, %get3A_36, %get3A_41, %broadcast_in_dim3A_42 in 1 : vector<512x3xf32>, vector<512x3xf32>, vector<512x6xf32>, vector<512x3xf32>, vector<512x1xf32>, vector<512x1xf32>, vector<512x111xf32> -> vector<512x128xf32>
    %swap3A = arith.constant 0 : index
    %swap3A_46 = arith.constant 0 : index
    %swap3A_47 = arith.constant 0 : index
    %swap3A_48 = vector.load %arg5[%swap3A, %swap3A_46, %swap3A_47] : memref<1x512x128xf32, #tpu.memory_space<vmem>>, vector<1x512x128xf32>
    %swap3A_49 = vector.shape_cast %swap3A_48 : vector<1x512x128xf32> to vector<512x128xf32>
    %swap3A_50 = vector.shape_cast %concatenate3A_45 : vector<512x128xf32> to vector<1x512x128xf32>
    tpu.vector_store %arg5[%swap3A, %swap3A_46, %swap3A_47], %swap3A_50 {strides = array<i32>} : memref<1x512x128xf32, #tpu.memory_space<vmem>>, vector<1x512x128xf32>,
    %get3A_51 = arith.constant 0 : index
    %get3A_52 = arith.constant 0 : index
    %get3A_53 = arith.constant 0 : index
    %get3A_54 = vector.load %arg2[%get3A_51, %get3A_52, %get3A_53] : memref<1x12x512xf32, #tpu.memory_space<vmem>>, vector<1x12x512xf32>
    %get3A_55 = vector.shape_cast %get3A_54 : vector<1x12x512xf32> to vector<12x512xf32>
    %broadcast_in_dim3A_56 = arith.constant 0.000000e+00 : f32
    %broadcast_in_dim3A_57 = vector.broadcast %broadcast_in_dim3A_56 : f32 to vector<512x512xf32>
    %slice3A_58 = vector.extract_strided_slice %slice3A_4 {offsets = [0, 0], sizes = [512, 1], strides = [1, 1]} : vector<512x3xf32> to vector<512x1xf32>
    %slice3A_59 = vector.extract_strided_slice %get3A_55 {offsets = [3, 0], sizes = [1, 512], strides = [1, 1]} : vector<12x512xf32> to vector<1x512xf32>
    %sub3A_60 = vector.broadcast %slice3A_58 : vector<512x1xf32> to vector<512x512xf32>
    %sub3A_61 = vector.broadcast %slice3A_59 : vector<1x512xf32> to vector<512x512xf32>
    %sub3A_62 = arith.subf %sub3A_60, %sub3A_61 : vector<512x512xf32>
    %mul3A_63 = arith.mulf %sub3A_62, %sub3A_62 : vector<512x512xf32>
    %add3A_64 = arith.addf %broadcast_in_dim3A_57, %mul3A_63 : vector<512x512xf32>
    %slice3A_65 = vector.extract_strided_slice %slice3A_4 {offsets = [0, 1], sizes = [512, 1], strides = [1, 1]} : vector<512x3xf32> to vector<512x1xf32>
    %slice3A_66 = vector.extract_strided_slice %get3A_55 {offsets = [4, 0], sizes = [1, 512], strides = [1, 1]} : vector<12x512xf32> to vector<1x512xf32>
    %sub3A_67 = vector.broadcast %slice3A_65 : vector<512x1xf32> to vector<512x512xf32>
    %sub3A_68 = vector.broadcast %slice3A_66 : vector<1x512xf32> to vector<512x512xf32>
    %sub3A_69 = arith.subf %sub3A_67, %sub3A_68 : vector<512x512xf32>
    %mul3A_70 = arith.mulf %sub3A_69, %sub3A_69 : vector<512x512xf32>
    %add3A_71 = arith.addf %add3A_64, %mul3A_70 : vector<512x512xf32>
    %slice3A_72 = vector.extract_strided_slice %slice3A_4 {offsets = [0, 2], sizes = [512, 1], strides = [1, 1]} : vector<512x3xf32> to vector<512x1xf32>
    %slice3A_73 = vector.extract_strided_slice %get3A_55 {offsets = [5, 0], sizes = [1, 512], strides = [1, 1]} : vector<12x512xf32> to vector<1x512xf32>
    %sub3A_74 = vector.broadcast %slice3A_72 : vector<512x1xf32> to vector<512x512xf32>
    %sub3A_75 = vector.broadcast %slice3A_73 : vector<1x512xf32> to vector<512x512xf32>
    %sub3A_76 = arith.subf %sub3A_74, %sub3A_75 : vector<512x512xf32>
    %mul3A_77 = arith.mulf %sub3A_76, %sub3A_76 : vector<512x512xf32>
    %add3A_78 = arith.addf %add3A_71, %mul3A_77 : vector<512x512xf32>
    %add3A_79 = arith.constant 9.99999997E-7 : f32
    %add3A_80 = vector.broadcast %add3A_79 : f32 to vector<512x512xf32>
    %add3A_81 = arith.addf %add3A_78, %add3A_80 : vector<512x512xf32>
    %sqrt3A = math.sqrt %add3A_81 : vector<512x512xf32>
    %swap3A_82 = arith.constant 0 : index
    %swap3A_83 = arith.constant 0 : index
    %swap3A_84 = vector.load %arg7[%swap3A_82, %swap3A_83] : memref<512x512xf32, #tpu.memory_space<vmem>>, vector<512x512xf32>
    tpu.vector_store %arg7[%swap3A_82, %swap3A_83], %sqrt3A {strides = array<i32>} : memref<512x512xf32, #tpu.memory_space<vmem>>, vector<512x512xf32>,
    %iota3A = tpu.iota {dimensions = array<i32: 1>} : vector<512x512xi32>
    %get3A_85 = arith.constant 0 : index
    %get3A_86 = arith.constant 0 : index
    %get3A_87 = vector.load %arg7[%get3A_85, %get3A_86] : memref<512x512xf32, #tpu.memory_space<vmem>>, vector<512x512xf32>
    %reduce_min3A = arith.constant dense<0x7F800000> : vector<512xf32>
    %reduce_min3A_88 = vector.multi_reduction <minimumf>, %get3A_87, %reduce_min3A [1] : vector<512x512xf32> to vector<512xf32>
    %broadcast_in_dim3A_89 = vector.shape_cast %reduce_min3A_88 : vector<512xf32> to vector<512x1xf32>
    %eq3A = vector.broadcast %broadcast_in_dim3A_89 : vector<512x1xf32> to vector<512x512xf32>
    %eq3A_90 = arith.cmpf oeq, %get3A_87, %eq3A : vector<512x512xf32>
    %jit3A = arith.constant 1048576 : i32
    %broadcast_in_dim3A_91 = vector.broadcast %jit3A : i32 to vector<512x512xi32>
    %select_n3A = arith.select %eq3A_90, %iota3A, %broadcast_in_dim3A_91 : vector<512x512xi1>, vector<512x512xi32>
    %reduce_min3A_92 = arith.constant dense<2147483647> : vector<512xi32>
    %reduce_min3A_93 = vector.multi_reduction <minsi>, %select_n3A, %reduce_min3A_92 [1] : vector<512x512xi32> to vector<512xi32>
    %broadcast_in_dim3A_94 = vector.shape_cast %reduce_min3A_93 : vector<512xi32> to vector<512x1xi32>
    %swap3A_95 = arith.constant 0 : index
    %swap3A_96 = arith.constant 0 : index
    %swap3A_97 = arith.constant 0 : index
    %swap3A_98 = vector.load %arg6[%swap3A_95, %swap3A_96, %swap3A_97] : memref<1x512x30xi32, #tpu.memory_space<vmem>>, vector<1x512x1xi32>
    %swap3A_99 = vector.shape_cast %swap3A_98 : vector<1x512x1xi32> to vector<512x1xi32>
    %swap3A_100 = vector.shape_cast %broadcast_in_dim3A_94 : vector<512x1xi32> to vector<1x512x1xi32>
    tpu.vector_store %arg6[%swap3A_95, %swap3A_96, %swap3A_97], %swap3A_100 {strides = array<i32>} : memref<1x512x30xi32, #tpu.memory_space<vmem>>, vector<1x512x1xi32>,
    %eq3A_101 = vector.broadcast %broadcast_in_dim3A_94 : vector<512x1xi32> to vector<512x512xi32>
    %eq3A_102 = arith.cmpi eq, %iota3A, %eq3A_101 : vector<512x512xi32>
    %jit3A_103 = arith.constant 0x7F800000 : f32
    %broadcast_in_dim3A_104 = vector.broadcast %jit3A_103 : f32 to vector<512x512xf32>
    %select_n3A_105 = arith.select %eq3A_102, %broadcast_in_dim3A_104, %get3A_87 : vector<512x512xi1>, vector<512x512xf32>
    %swap3A_106 = arith.constant 0 : index
    %swap3A_107 = arith.constant 0 : index
    %swap3A_108 = vector.load %arg7[%swap3A_106, %swap3A_107] : memref<512x512xf32, #tpu.memory_space<vmem>>, vector<512x512xf32>
    tpu.vector_store %arg7[%swap3A_106, %swap3A_107], %select_n3A_105 {strides = array<i32>} : memref<512x512xf32, #tpu.memory_space<vmem>>, vector<512x512xf32>,
    %get3A_109 = arith.constant 0 : index
    %get3A_110 = arith.constant 0 : index
    %get3A_111 = vector.load %arg7[%get3A_109, %get3A_110] : memref<512x512xf32, #tpu.memory_space<vmem>>, vector<512x512xf32>
    %reduce_min3A_112 = arith.constant dense<0x7F800000> : vector<512xf32>
    %reduce_min3A_113 = vector.multi_reduction <minimumf>, %get3A_111, %reduce_min3A_112 [1] : vector<512x512xf32> to vector<512xf32>
    %broadcast_in_dim3A_114 = vector.shape_cast %reduce_min3A_113 : vector<512xf32> to vector<512x1xf32>
    %eq3A_115 = vector.broadcast %broadcast_in_dim3A_114 : vector<512x1xf32> to vector<512x512xf32>
    %eq3A_116 = arith.cmpf oeq, %get3A_111, %eq3A_115 : vector<512x512xf32>
    %jit3A_117 = arith.constant 1048576 : i32
    %broadcast_in_dim3A_118 = vector.broadcast %jit3A_117 : i32 to vector<512x512xi32>
    %select_n3A_119 = arith.select %eq3A_116, %iota3A, %broadcast_in_dim3A_118 : vector<512x512xi1>, vector<512x512xi32>
    %reduce_min3A_120 = arith.constant dense<2147483647> : vector<512xi32>
    %reduce_min3A_121 = vector.multi_reduction <minsi>, %select_n3A_119, %reduce_min3A_120 [1] : vector<512x512xi32> to vector<512xi32>
    %broadcast_in_dim3A_122 = vector.shape_cast %reduce_min3A_121 : vector<512xi32> to vector<512x1xi32>
    %swap3A_123 = arith.constant 0 : index
    %swap3A_124 = arith.constant 0 : index
    %swap3A_125 = arith.constant 1 : index
    %swap3A_126 = vector.load %arg6[%swap3A_123, %swap3A_124, %swap3A_125] : memref<1x512x30xi32, #tpu.memory_space<vmem>>, vector<1x512x1xi32>
    %swap3A_127 = vector.shape_cast %swap3A_126 : vector<1x512x1xi32> to vector<512x1xi32>
    %swap3A_128 = vector.shape_cast %broadcast_in_dim3A_122 : vector<512x1xi32> to vector<1x512x1xi32>
    tpu.vector_store %arg6[%swap3A_123, %swap3A_124, %swap3A_125], %swap3A_128 {strides = array<i32>} : memref<1x512x30xi32, #tpu.memory_space<vmem>>, vector<1x512x1xi32>,
    %eq3A_129 = vector.broadcast %broadcast_in_dim3A_122 : vector<512x1xi32> to vector<512x512xi32>
    %eq3A_130 = arith.cmpi eq, %iota3A, %eq3A_129 : vector<512x512xi32>
    %jit3A_131 = arith.constant 0x7F800000 : f32
    %broadcast_in_dim3A_132 = vector.broadcast %jit3A_131 : f32 to vector<512x512xf32>
    %select_n3A_133 = arith.select %eq3A_130, %broadcast_in_dim3A_132, %get3A_111 : vector<512x512xi1>, vector<512x512xf32>
    %swap3A_134 = arith.constant 0 : index
    %swap3A_135 = arith.constant 0 : index
    %swap3A_136 = vector.load %arg7[%swap3A_134, %swap3A_135] : memref<512x512xf32, #tpu.memory_space<vmem>>, vector<512x512xf32>
    tpu.vector_store %arg7[%swap3A_134, %swap3A_135], %select_n3A_133 {strides = array<i32>} : memref<512x512xf32, #tpu.memory_space<vmem>>, vector<512x512xf32>,
    %get3A_137 = arith.constant 0 : index
    %get3A_138 = arith.constant 0 : index
    %get3A_139 = vector.load %arg7[%get3A_137, %get3A_138] : memref<512x512xf32, #tpu.memory_space<vmem>>, vector<512x512xf32>
    %reduce_min3A_140 = arith.constant dense<0x7F800000> : vector<512xf32>
    %reduce_min3A_141 = vector.multi_reduction <minimumf>, %get3A_139, %reduce_min3A_140 [1] : vector<512x512xf32> to vector<512xf32>
    %broadcast_in_dim3A_142 = vector.shape_cast %reduce_min3A_141 : vector<512xf32> to vector<512x1xf32>
    %eq3A_143 = vector.broadcast %broadcast_in_dim3A_142 : vector<512x1xf32> to vector<512x512xf32>
    %eq3A_144 = arith.cmpf oeq, %get3A_139, %eq3A_143 : vector<512x512xf32>
    %jit3A_145 = arith.constant 1048576 : i32
    %broadcast_in_dim3A_146 = vector.broadcast %jit3A_145 : i32 to vector<512x512xi32>
    %select_n3A_147 = arith.select %eq3A_144, %iota3A, %broadcast_in_dim3A_146 : vector<512x512xi1>, vector<512x512xi32>
    %reduce_min3A_148 = arith.constant dense<2147483647> : vector<512xi32>
    %reduce_min3A_149 = vector.multi_reduction <minsi>, %select_n3A_147, %reduce_min3A_148 [1] : vector<512x512xi32> to vector<512xi32>
    %broadcast_in_dim3A_150 = vector.shape_cast %reduce_min3A_149 : vector<512xi32> to vector<512x1xi32>
    %swap3A_151 = arith.constant 0 : index
    %swap3A_152 = arith.constant 0 : index
    %swap3A_153 = arith.constant 2 : index
    %swap3A_154 = vector.load %arg6[%swap3A_151, %swap3A_152, %swap3A_153] : memref<1x512x30xi32, #tpu.memory_space<vmem>>, vector<1x512x1xi32>
    %swap3A_155 = vector.shape_cast %swap3A_154 : vector<1x512x1xi32> to vector<512x1xi32>
    %swap3A_156 = vector.shape_cast %broadcast_in_dim3A_150 : vector<512x1xi32> to vector<1x512x1xi32>
    tpu.vector_store %arg6[%swap3A_151, %swap3A_152, %swap3A_153], %swap3A_156 {strides = array<i32>} : memref<1x512x30xi32, #tpu.memory_space<vmem>>, vector<1x512x1xi32>,
    %eq3A_157 = vector.broadcast %broadcast_in_dim3A_150 : vector<512x1xi32> to vector<512x512xi32>
    %eq3A_158 = arith.cmpi eq, %iota3A, %eq3A_157 : vector<512x512xi32>
    %jit3A_159 = arith.constant 0x7F800000 : f32
    %broadcast_in_dim3A_160 = vector.broadcast %jit3A_159 : f32 to vector<512x512xf32>
    %select_n3A_161 = arith.select %eq3A_158, %broadcast_in_dim3A_160, %get3A_139 : vector<512x512xi1>, vector<512x512xf32>
    %swap3A_162 = arith.constant 0 : index
    %swap3A_163 = arith.constant 0 : index
    %swap3A_164 = vector.load %arg7[%swap3A_162, %swap3A_163] : memref<512x512xf32, #tpu.memory_space<vmem>>, vector<512x512xf32>
    tpu.vector_store %arg7[%swap3A_162, %swap3A_163], %select_n3A_161 {strides = array<i32>} : memref<512x512xf32, #tpu.memory_space<vmem>>, vector<512x512xf32>,
    %get3A_165 = arith.constant 0 : index
    %get3A_166 = arith.constant 0 : index
    %get3A_167 = vector.load %arg7[%get3A_165, %get3A_166] : memref<512x512xf32, #tpu.memory_space<vmem>>, vector<512x512xf32>
    %reduce_min3A_168 = arith.constant dense<0x7F800000> : vector<512xf32>
    %reduce_min3A_169 = vector.multi_reduction <minimumf>, %get3A_167, %reduce_min3A_168 [1] : vector<512x512xf32> to vector<512xf32>
    %broadcast_in_dim3A_170 = vector.shape_cast %reduce_min3A_169 : vector<512xf32> to vector<512x1xf32>
    %eq3A_171 = vector.broadcast %broadcast_in_dim3A_170 : vector<512x1xf32> to vector<512x512xf32>
    %eq3A_172 = arith.cmpf oeq, %get3A_167, %eq3A_171 : vector<512x512xf32>
    %jit3A_173 = arith.constant 1048576 : i32
    %broadcast_in_dim3A_174 = vector.broadcast %jit3A_173 : i32 to vector<512x512xi32>
    %select_n3A_175 = arith.select %eq3A_172, %iota3A, %broadcast_in_dim3A_174 : vector<512x512xi1>, vector<512x512xi32>
    %reduce_min3A_176 = arith.constant dense<2147483647> : vector<512xi32>
    %reduce_min3A_177 = vector.multi_reduction <minsi>, %select_n3A_175, %reduce_min3A_176 [1] : vector<512x512xi32> to vector<512xi32>
    %broadcast_in_dim3A_178 = vector.shape_cast %reduce_min3A_177 : vector<512xi32> to vector<512x1xi32>
    %swap3A_179 = arith.constant 0 : index
    %swap3A_180 = arith.constant 0 : index
    %swap3A_181 = arith.constant 3 : index
    %swap3A_182 = vector.load %arg6[%swap3A_179, %swap3A_180, %swap3A_181] : memref<1x512x30xi32, #tpu.memory_space<vmem>>, vector<1x512x1xi32>
    %swap3A_183 = vector.shape_cast %swap3A_182 : vector<1x512x1xi32> to vector<512x1xi32>
    %swap3A_184 = vector.shape_cast %broadcast_in_dim3A_178 : vector<512x1xi32> to vector<1x512x1xi32>
    tpu.vector_store %arg6[%swap3A_179, %swap3A_180, %swap3A_181], %swap3A_184 {strides = array<i32>} : memref<1x512x30xi32, #tpu.memory_space<vmem>>, vector<1x512x1xi32>,
    %eq3A_185 = vector.broadcast %broadcast_in_dim3A_178 : vector<512x1xi32> to vector<512x512xi32>
    %eq3A_186 = arith.cmpi eq, %iota3A, %eq3A_185 : vector<512x512xi32>
    %jit3A_187 = arith.constant 0x7F800000 : f32
    %broadcast_in_dim3A_188 = vector.broadcast %jit3A_187 : f32 to vector<512x512xf32>
    %select_n3A_189 = arith.select %eq3A_186, %broadcast_in_dim3A_188, %get3A_167 : vector<512x512xi1>, vector<512x512xf32>
    %swap3A_190 = arith.constant 0 : index
    %swap3A_191 = arith.constant 0 : index
    %swap3A_192 = vector.load %arg7[%swap3A_190, %swap3A_191] : memref<512x512xf32, #tpu.memory_space<vmem>>, vector<512x512xf32>
    tpu.vector_store %arg7[%swap3A_190, %swap3A_191], %select_n3A_189 {strides = array<i32>} : memref<512x512xf32, #tpu.memory_space<vmem>>, vector<512x512xf32>,
    %get3A_193 = arith.constant 0 : index
    %get3A_194 = arith.constant 0 : index
    %get3A_195 = vector.load %arg7[%get3A_193, %get3A_194] : memref<512x512xf32, #tpu.memory_space<vmem>>, vector<512x512xf32>
    %reduce_min3A_196 = arith.constant dense<0x7F800000> : vector<512xf32>
    %reduce_min3A_197 = vector.multi_reduction <minimumf>, %get3A_195, %reduce_min3A_196 [1] : vector<512x512xf32> to vector<512xf32>
    %broadcast_in_dim3A_198 = vector.shape_cast %reduce_min3A_197 : vector<512xf32> to vector<512x1xf32>
    %eq3A_199 = vector.broadcast %broadcast_in_dim3A_198 : vector<512x1xf32> to vector<512x512xf32>
    %eq3A_200 = arith.cmpf oeq, %get3A_195, %eq3A_199 : vector<512x512xf32>
    %jit3A_201 = arith.constant 1048576 : i32
    %broadcast_in_dim3A_202 = vector.broadcast %jit3A_201 : i32 to vector<512x512xi32>
    %select_n3A_203 = arith.select %eq3A_200, %iota3A, %broadcast_in_dim3A_202 : vector<512x512xi1>, vector<512x512xi32>
    %reduce_min3A_204 = arith.constant dense<2147483647> : vector<512xi32>
    %reduce_min3A_205 = vector.multi_reduction <minsi>, %select_n3A_203, %reduce_min3A_204 [1] : vector<512x512xi32> to vector<512xi32>
    %broadcast_in_dim3A_206 = vector.shape_cast %reduce_min3A_205 : vector<512xi32> to vector<512x1xi32>
    %swap3A_207 = arith.constant 0 : index
    %swap3A_208 = arith.constant 0 : index
    %swap3A_209 = arith.constant 4 : index
    %swap3A_210 = vector.load %arg6[%swap3A_207, %swap3A_208, %swap3A_209] : memref<1x512x30xi32, #tpu.memory_space<vmem>>, vector<1x512x1xi32>
    %swap3A_211 = vector.shape_cast %swap3A_210 : vector<1x512x1xi32> to vector<512x1xi32>
    %swap3A_212 = vector.shape_cast %broadcast_in_dim3A_206 : vector<512x1xi32> to vector<1x512x1xi32>
    tpu.vector_store %arg6[%swap3A_207, %swap3A_208, %swap3A_209], %swap3A_212 {strides = array<i32>} : memref<1x512x30xi32, #tpu.memory_space<vmem>>, vector<1x512x1xi32>,
    %eq3A_213 = vector.broadcast %broadcast_in_dim3A_206 : vector<512x1xi32> to vector<512x512xi32>
    %eq3A_214 = arith.cmpi eq, %iota3A, %eq3A_213 : vector<512x512xi32>
    %jit3A_215 = arith.constant 0x7F800000 : f32
    %broadcast_in_dim3A_216 = vector.broadcast %jit3A_215 : f32 to vector<512x512xf32>
    %select_n3A_217 = arith.select %eq3A_214, %broadcast_in_dim3A_216, %get3A_195 : vector<512x512xi1>, vector<512x512xf32>
    %swap3A_218 = arith.constant 0 : index
    %swap3A_219 = arith.constant 0 : index
    %swap3A_220 = vector.load %arg7[%swap3A_218, %swap3A_219] : memref<512x512xf32, #tpu.memory_space<vmem>>, vector<512x512xf32>
    tpu.vector_store %arg7[%swap3A_218, %swap3A_219], %select_n3A_217 {strides = array<i32>} : memref<512x512xf32, #tpu.memory_space<vmem>>, vector<512x512xf32>,
    %get3A_221 = arith.constant 0 : index
    %get3A_222 = arith.constant 0 : index
    %get3A_223 = vector.load %arg7[%get3A_221, %get3A_222] : memref<512x512xf32, #tpu.memory_space<vmem>>, vector<512x512xf32>
    %reduce_min3A_224 = arith.constant dense<0x7F800000> : vector<512xf32>
    %reduce_min3A_225 = vector.multi_reduction <minimumf>, %get3A_223, %reduce_min3A_224 [1] : vector<512x512xf32> to vector<512xf32>
    %broadcast_in_dim3A_226 = vector.shape_cast %reduce_min3A_225 : vector<512xf32> to vector<512x1xf32>
    %eq3A_227 = vector.broadcast %broadcast_in_dim3A_226 : vector<512x1xf32> to vector<512x512xf32>
    %eq3A_228 = arith.cmpf oeq, %get3A_223, %eq3A_227 : vector<512x512xf32>
    %jit3A_229 = arith.constant 1048576 : i32
    %broadcast_in_dim3A_230 = vector.broadcast %jit3A_229 : i32 to vector<512x512xi32>
    %select_n3A_231 = arith.select %eq3A_228, %iota3A, %broadcast_in_dim3A_230 : vector<512x512xi1>, vector<512x512xi32>
    %reduce_min3A_232 = arith.constant dense<2147483647> : vector<512xi32>
    %reduce_min3A_233 = vector.multi_reduction <minsi>, %select_n3A_231, %reduce_min3A_232 [1] : vector<512x512xi32> to vector<512xi32>
    %broadcast_in_dim3A_234 = vector.shape_cast %reduce_min3A_233 : vector<512xi32> to vector<512x1xi32>
    %swap3A_235 = arith.constant 0 : index
    %swap3A_236 = arith.constant 0 : index
    %swap3A_237 = arith.constant 5 : index
    %swap3A_238 = vector.load %arg6[%swap3A_235, %swap3A_236, %swap3A_237] : memref<1x512x30xi32, #tpu.memory_space<vmem>>, vector<1x512x1xi32>
    %swap3A_239 = vector.shape_cast %swap3A_238 : vector<1x512x1xi32> to vector<512x1xi32>
    %swap3A_240 = vector.shape_cast %broadcast_in_dim3A_234 : vector<512x1xi32> to vector<1x512x1xi32>
    tpu.vector_store %arg6[%swap3A_235, %swap3A_236, %swap3A_237], %swap3A_240 {strides = array<i32>} : memref<1x512x30xi32, #tpu.memory_space<vmem>>, vector<1x512x1xi32>,
    %eq3A_241 = vector.broadcast %broadcast_in_dim3A_234 : vector<512x1xi32> to vector<512x512xi32>
    %eq3A_242 = arith.cmpi eq, %iota3A, %eq3A_241 : vector<512x512xi32>
    %jit3A_243 = arith.constant 0x7F800000 : f32
    %broadcast_in_dim3A_244 = vector.broadcast %jit3A_243 : f32 to vector<512x512xf32>
    %select_n3A_245 = arith.select %eq3A_242, %broadcast_in_dim3A_244, %get3A_223 : vector<512x512xi1>, vector<512x512xf32>
    %swap3A_246 = arith.constant 0 : index
    %swap3A_247 = arith.constant 0 : index
    %swap3A_248 = vector.load %arg7[%swap3A_246, %swap3A_247] : memref<512x512xf32, #tpu.memory_space<vmem>>, vector<512x512xf32>
    tpu.vector_store %arg7[%swap3A_246, %swap3A_247], %select_n3A_245 {strides = array<i32>} : memref<512x512xf32, #tpu.memory_space<vmem>>, vector<512x512xf32>,
    %get3A_249 = arith.constant 0 : index
    %get3A_250 = arith.constant 0 : index
    %get3A_251 = vector.load %arg7[%get3A_249, %get3A_250] : memref<512x512xf32, #tpu.memory_space<vmem>>, vector<512x512xf32>
    %reduce_min3A_252 = arith.constant dense<0x7F800000> : vector<512xf32>
    %reduce_min3A_253 = vector.multi_reduction <minimumf>, %get3A_251, %reduce_min3A_252 [1] : vector<512x512xf32> to vector<512xf32>
    %broadcast_in_dim3A_254 = vector.shape_cast %reduce_min3A_253 : vector<512xf32> to vector<512x1xf32>
    %eq3A_255 = vector.broadcast %broadcast_in_dim3A_254 : vector<512x1xf32> to vector<512x512xf32>
    %eq3A_256 = arith.cmpf oeq, %get3A_251, %eq3A_255 : vector<512x512xf32>
    %jit3A_257 = arith.constant 1048576 : i32
    %broadcast_in_dim3A_258 = vector.broadcast %jit3A_257 : i32 to vector<512x512xi32>
    %select_n3A_259 = arith.select %eq3A_256, %iota3A, %broadcast_in_dim3A_258 : vector<512x512xi1>, vector<512x512xi32>
    %reduce_min3A_260 = arith.constant dense<2147483647> : vector<512xi32>
    %reduce_min3A_261 = vector.multi_reduction <minsi>, %select_n3A_259, %reduce_min3A_260 [1] : vector<512x512xi32> to vector<512xi32>
    %broadcast_in_dim3A_262 = vector.shape_cast %reduce_min3A_261 : vector<512xi32> to vector<512x1xi32>
    %swap3A_263 = arith.constant 0 : index
    %swap3A_264 = arith.constant 0 : index
    %swap3A_265 = arith.constant 6 : index
    %swap3A_266 = vector.load %arg6[%swap3A_263, %swap3A_264, %swap3A_265] : memref<1x512x30xi32, #tpu.memory_space<vmem>>, vector<1x512x1xi32>
    %swap3A_267 = vector.shape_cast %swap3A_266 : vector<1x512x1xi32> to vector<512x1xi32>
    %swap3A_268 = vector.shape_cast %broadcast_in_dim3A_262 : vector<512x1xi32> to vector<1x512x1xi32>
    tpu.vector_store %arg6[%swap3A_263, %swap3A_264, %swap3A_265], %swap3A_268 {strides = array<i32>} : memref<1x512x30xi32, #tpu.memory_space<vmem>>, vector<1x512x1xi32>,
    %eq3A_269 = vector.broadcast %broadcast_in_dim3A_262 : vector<512x1xi32> to vector<512x512xi32>
    %eq3A_270 = arith.cmpi eq, %iota3A, %eq3A_269 : vector<512x512xi32>
    %jit3A_271 = arith.constant 0x7F800000 : f32
    %broadcast_in_dim3A_272 = vector.broadcast %jit3A_271 : f32 to vector<512x512xf32>
    %select_n3A_273 = arith.select %eq3A_270, %broadcast_in_dim3A_272, %get3A_251 : vector<512x512xi1>, vector<512x512xf32>
    %swap3A_274 = arith.constant 0 : index
    %swap3A_275 = arith.constant 0 : index
    %swap3A_276 = vector.load %arg7[%swap3A_274, %swap3A_275] : memref<512x512xf32, #tpu.memory_space<vmem>>, vector<512x512xf32>
    tpu.vector_store %arg7[%swap3A_274, %swap3A_275], %select_n3A_273 {strides = array<i32>} : memref<512x512xf32, #tpu.memory_space<vmem>>, vector<512x512xf32>,
    %get3A_277 = arith.constant 0 : index
    %get3A_278 = arith.constant 0 : index
    %get3A_279 = vector.load %arg7[%get3A_277, %get3A_278] : memref<512x512xf32, #tpu.memory_space<vmem>>, vector<512x512xf32>
    %reduce_min3A_280 = arith.constant dense<0x7F800000> : vector<512xf32>
    %reduce_min3A_281 = vector.multi_reduction <minimumf>, %get3A_279, %reduce_min3A_280 [1] : vector<512x512xf32> to vector<512xf32>
    %broadcast_in_dim3A_282 = vector.shape_cast %reduce_min3A_281 : vector<512xf32> to vector<512x1xf32>
    %eq3A_283 = vector.broadcast %broadcast_in_dim3A_282 : vector<512x1xf32> to vector<512x512xf32>
    %eq3A_284 = arith.cmpf oeq, %get3A_279, %eq3A_283 : vector<512x512xf32>
    %jit3A_285 = arith.constant 1048576 : i32
    %broadcast_in_dim3A_286 = vector.broadcast %jit3A_285 : i32 to vector<512x512xi32>
    %select_n3A_287 = arith.select %eq3A_284, %iota3A, %broadcast_in_dim3A_286 : vector<512x512xi1>, vector<512x512xi32>
    %reduce_min3A_288 = arith.constant dense<2147483647> : vector<512xi32>
    %reduce_min3A_289 = vector.multi_reduction <minsi>, %select_n3A_287, %reduce_min3A_288 [1] : vector<512x512xi32> to vector<512xi32>
    %broadcast_in_dim3A_290 = vector.shape_cast %reduce_min3A_289 : vector<512xi32> to vector<512x1xi32>
    %swap3A_291 = arith.constant 0 : index
    %swap3A_292 = arith.constant 0 : index
    %swap3A_293 = arith.constant 7 : index
    %swap3A_294 = vector.load %arg6[%swap3A_291, %swap3A_292, %swap3A_293] : memref<1x512x30xi32, #tpu.memory_space<vmem>>, vector<1x512x1xi32>
    %swap3A_295 = vector.shape_cast %swap3A_294 : vector<1x512x1xi32> to vector<512x1xi32>
    %swap3A_296 = vector.shape_cast %broadcast_in_dim3A_290 : vector<512x1xi32> to vector<1x512x1xi32>
    tpu.vector_store %arg6[%swap3A_291, %swap3A_292, %swap3A_293], %swap3A_296 {strides = array<i32>} : memref<1x512x30xi32, #tpu.memory_space<vmem>>, vector<1x512x1xi32>,
    %eq3A_297 = vector.broadcast %broadcast_in_dim3A_290 : vector<512x1xi32> to vector<512x512xi32>
    %eq3A_298 = arith.cmpi eq, %iota3A, %eq3A_297 : vector<512x512xi32>
    %jit3A_299 = arith.constant 0x7F800000 : f32
    %broadcast_in_dim3A_300 = vector.broadcast %jit3A_299 : f32 to vector<512x512xf32>
    %select_n3A_301 = arith.select %eq3A_298, %broadcast_in_dim3A_300, %get3A_279 : vector<512x512xi1>, vector<512x512xf32>
    %swap3A_302 = arith.constant 0 : index
    %swap3A_303 = arith.constant 0 : index
    %swap3A_304 = vector.load %arg7[%swap3A_302, %swap3A_303] : memref<512x512xf32, #tpu.memory_space<vmem>>, vector<512x512xf32>
    tpu.vector_store %arg7[%swap3A_302, %swap3A_303], %select_n3A_301 {strides = array<i32>} : memref<512x512xf32, #tpu.memory_space<vmem>>, vector<512x512xf32>,
    %get3A_305 = arith.constant 0 : index
    %get3A_306 = arith.constant 0 : index
    %get3A_307 = vector.load %arg7[%get3A_305, %get3A_306] : memref<512x512xf32, #tpu.memory_space<vmem>>, vector<512x512xf32>
    %reduce_min3A_308 = arith.constant dense<0x7F800000> : vector<512xf32>
    %reduce_min3A_309 = vector.multi_reduction <minimumf>, %get3A_307, %reduce_min3A_308 [1] : vector<512x512xf32> to vector<512xf32>
    %broadcast_in_dim3A_310 = vector.shape_cast %reduce_min3A_309 : vector<512xf32> to vector<512x1xf32>
    %eq3A_311 = vector.broadcast %broadcast_in_dim3A_310 : vector<512x1xf32> to vector<512x512xf32>
    %eq3A_312 = arith.cmpf oeq, %get3A_307, %eq3A_311 : vector<512x512xf32>
    %jit3A_313 = arith.constant 1048576 : i32
    %broadcast_in_dim3A_314 = vector.broadcast %jit3A_313 : i32 to vector<512x512xi32>
    %select_n3A_315 = arith.select %eq3A_312, %iota3A, %broadcast_in_dim3A_314 : vector<512x512xi1>, vector<512x512xi32>
    %reduce_min3A_316 = arith.constant dense<2147483647> : vector<512xi32>
    %reduce_min3A_317 = vector.multi_reduction <minsi>, %select_n3A_315, %reduce_min3A_316 [1] : vector<512x512xi32> to vector<512xi32>
    %broadcast_in_dim3A_318 = vector.shape_cast %reduce_min3A_317 : vector<512xi32> to vector<512x1xi32>
    %swap3A_319 = arith.constant 0 : index
    %swap3A_320 = arith.constant 0 : index
    %swap3A_321 = arith.constant 8 : index
    %swap3A_322 = vector.load %arg6[%swap3A_319, %swap3A_320, %swap3A_321] : memref<1x512x30xi32, #tpu.memory_space<vmem>>, vector<1x512x1xi32>
    %swap3A_323 = vector.shape_cast %swap3A_322 : vector<1x512x1xi32> to vector<512x1xi32>
    %swap3A_324 = vector.shape_cast %broadcast_in_dim3A_318 : vector<512x1xi32> to vector<1x512x1xi32>
    tpu.vector_store %arg6[%swap3A_319, %swap3A_320, %swap3A_321], %swap3A_324 {strides = array<i32>} : memref<1x512x30xi32, #tpu.memory_space<vmem>>, vector<1x512x1xi32>,
    %eq3A_325 = vector.broadcast %broadcast_in_dim3A_318 : vector<512x1xi32> to vector<512x512xi32>
    %eq3A_326 = arith.cmpi eq, %iota3A, %eq3A_325 : vector<512x512xi32>
    %jit3A_327 = arith.constant 0x7F800000 : f32
    %broadcast_in_dim3A_328 = vector.broadcast %jit3A_327 : f32 to vector<512x512xf32>
    %select_n3A_329 = arith.select %eq3A_326, %broadcast_in_dim3A_328, %get3A_307 : vector<512x512xi1>, vector<512x512xf32>
    %swap3A_330 = arith.constant 0 : index
    %swap3A_331 = arith.constant 0 : index
    %swap3A_332 = vector.load %arg7[%swap3A_330, %swap3A_331] : memref<512x512xf32, #tpu.memory_space<vmem>>, vector<512x512xf32>
    tpu.vector_store %arg7[%swap3A_330, %swap3A_331], %select_n3A_329 {strides = array<i32>} : memref<512x512xf32, #tpu.memory_space<vmem>>, vector<512x512xf32>,
    %get3A_333 = arith.constant 0 : index
    %get3A_334 = arith.constant 0 : index
    %get3A_335 = vector.load %arg7[%get3A_333, %get3A_334] : memref<512x512xf32, #tpu.memory_space<vmem>>, vector<512x512xf32>
    %reduce_min3A_336 = arith.constant dense<0x7F800000> : vector<512xf32>
    %reduce_min3A_337 = vector.multi_reduction <minimumf>, %get3A_335, %reduce_min3A_336 [1] : vector<512x512xf32> to vector<512xf32>
    %broadcast_in_dim3A_338 = vector.shape_cast %reduce_min3A_337 : vector<512xf32> to vector<512x1xf32>
    %eq3A_339 = vector.broadcast %broadcast_in_dim3A_338 : vector<512x1xf32> to vector<512x512xf32>
    %eq3A_340 = arith.cmpf oeq, %get3A_335, %eq3A_339 : vector<512x512xf32>
    %jit3A_341 = arith.constant 1048576 : i32
    %broadcast_in_dim3A_342 = vector.broadcast %jit3A_341 : i32 to vector<512x512xi32>
    %select_n3A_343 = arith.select %eq3A_340, %iota3A, %broadcast_in_dim3A_342 : vector<512x512xi1>, vector<512x512xi32>
    %reduce_min3A_344 = arith.constant dense<2147483647> : vector<512xi32>
    %reduce_min3A_345 = vector.multi_reduction <minsi>, %select_n3A_343, %reduce_min3A_344 [1] : vector<512x512xi32> to vector<512xi32>
    %broadcast_in_dim3A_346 = vector.shape_cast %reduce_min3A_345 : vector<512xi32> to vector<512x1xi32>
    %swap3A_347 = arith.constant 0 : index
    %swap3A_348 = arith.constant 0 : index
    %swap3A_349 = arith.constant 9 : index
    %swap3A_350 = vector.load %arg6[%swap3A_347, %swap3A_348, %swap3A_349] : memref<1x512x30xi32, #tpu.memory_space<vmem>>, vector<1x512x1xi32>
    %swap3A_351 = vector.shape_cast %swap3A_350 : vector<1x512x1xi32> to vector<512x1xi32>
    %swap3A_352 = vector.shape_cast %broadcast_in_dim3A_346 : vector<512x1xi32> to vector<1x512x1xi32>
    tpu.vector_store %arg6[%swap3A_347, %swap3A_348, %swap3A_349], %swap3A_352 {strides = array<i32>} : memref<1x512x30xi32, #tpu.memory_space<vmem>>, vector<1x512x1xi32>,
    %eq3A_353 = vector.broadcast %broadcast_in_dim3A_346 : vector<512x1xi32> to vector<512x512xi32>
    %eq3A_354 = arith.cmpi eq, %iota3A, %eq3A_353 : vector<512x512xi32>
    %jit3A_355 = arith.constant 0x7F800000 : f32
    %broadcast_in_dim3A_356 = vector.broadcast %jit3A_355 : f32 to vector<512x512xf32>
    %select_n3A_357 = arith.select %eq3A_354, %broadcast_in_dim3A_356, %get3A_335 : vector<512x512xi1>, vector<512x512xf32>
    %swap3A_358 = arith.constant 0 : index
    %swap3A_359 = arith.constant 0 : index
    %swap3A_360 = vector.load %arg7[%swap3A_358, %swap3A_359] : memref<512x512xf32, #tpu.memory_space<vmem>>, vector<512x512xf32>
    tpu.vector_store %arg7[%swap3A_358, %swap3A_359], %select_n3A_357 {strides = array<i32>} : memref<512x512xf32, #tpu.memory_space<vmem>>, vector<512x512xf32>,
    %get3A_361 = arith.constant 0 : index
    %get3A_362 = arith.constant 0 : index
    %get3A_363 = vector.load %arg7[%get3A_361, %get3A_362] : memref<512x512xf32, #tpu.memory_space<vmem>>, vector<512x512xf32>
    %reduce_min3A_364 = arith.constant dense<0x7F800000> : vector<512xf32>
    %reduce_min3A_365 = vector.multi_reduction <minimumf>, %get3A_363, %reduce_min3A_364 [1] : vector<512x512xf32> to vector<512xf32>
    %broadcast_in_dim3A_366 = vector.shape_cast %reduce_min3A_365 : vector<512xf32> to vector<512x1xf32>
    %eq3A_367 = vector.broadcast %broadcast_in_dim3A_366 : vector<512x1xf32> to vector<512x512xf32>
    %eq3A_368 = arith.cmpf oeq, %get3A_363, %eq3A_367 : vector<512x512xf32>
    %jit3A_369 = arith.constant 1048576 : i32
    %broadcast_in_dim3A_370 = vector.broadcast %jit3A_369 : i32 to vector<512x512xi32>
    %select_n3A_371 = arith.select %eq3A_368, %iota3A, %broadcast_in_dim3A_370 : vector<512x512xi1>, vector<512x512xi32>
    %reduce_min3A_372 = arith.constant dense<2147483647> : vector<512xi32>
    %reduce_min3A_373 = vector.multi_reduction <minsi>, %select_n3A_371, %reduce_min3A_372 [1] : vector<512x512xi32> to vector<512xi32>
    %broadcast_in_dim3A_374 = vector.shape_cast %reduce_min3A_373 : vector<512xi32> to vector<512x1xi32>
    %swap3A_375 = arith.constant 0 : index
    %swap3A_376 = arith.constant 0 : index
    %swap3A_377 = arith.constant 10 : index
    %swap3A_378 = vector.load %arg6[%swap3A_375, %swap3A_376, %swap3A_377] : memref<1x512x30xi32, #tpu.memory_space<vmem>>, vector<1x512x1xi32>
    %swap3A_379 = vector.shape_cast %swap3A_378 : vector<1x512x1xi32> to vector<512x1xi32>
    %swap3A_380 = vector.shape_cast %broadcast_in_dim3A_374 : vector<512x1xi32> to vector<1x512x1xi32>
    tpu.vector_store %arg6[%swap3A_375, %swap3A_376, %swap3A_377], %swap3A_380 {strides = array<i32>} : memref<1x512x30xi32, #tpu.memory_space<vmem>>, vector<1x512x1xi32>,
    %eq3A_381 = vector.broadcast %broadcast_in_dim3A_374 : vector<512x1xi32> to vector<512x512xi32>
    %eq3A_382 = arith.cmpi eq, %iota3A, %eq3A_381 : vector<512x512xi32>
    %jit3A_383 = arith.constant 0x7F800000 : f32
    %broadcast_in_dim3A_384 = vector.broadcast %jit3A_383 : f32 to vector<512x512xf32>
    %select_n3A_385 = arith.select %eq3A_382, %broadcast_in_dim3A_384, %get3A_363 : vector<512x512xi1>, vector<512x512xf32>
    %swap3A_386 = arith.constant 0 : index
    %swap3A_387 = arith.constant 0 : index
    %swap3A_388 = vector.load %arg7[%swap3A_386, %swap3A_387] : memref<512x512xf32, #tpu.memory_space<vmem>>, vector<512x512xf32>
    tpu.vector_store %arg7[%swap3A_386, %swap3A_387], %select_n3A_385 {strides = array<i32>} : memref<512x512xf32, #tpu.memory_space<vmem>>, vector<512x512xf32>,
    %get3A_389 = arith.constant 0 : index
    %get3A_390 = arith.constant 0 : index
    %get3A_391 = vector.load %arg7[%get3A_389, %get3A_390] : memref<512x512xf32, #tpu.memory_space<vmem>>, vector<512x512xf32>
    %reduce_min3A_392 = arith.constant dense<0x7F800000> : vector<512xf32>
    %reduce_min3A_393 = vector.multi_reduction <minimumf>, %get3A_391, %reduce_min3A_392 [1] : vector<512x512xf32> to vector<512xf32>
    %broadcast_in_dim3A_394 = vector.shape_cast %reduce_min3A_393 : vector<512xf32> to vector<512x1xf32>
    %eq3A_395 = vector.broadcast %broadcast_in_dim3A_394 : vector<512x1xf32> to vector<512x512xf32>
    %eq3A_396 = arith.cmpf oeq, %get3A_391, %eq3A_395 : vector<512x512xf32>
    %jit3A_397 = arith.constant 1048576 : i32
    %broadcast_in_dim3A_398 = vector.broadcast %jit3A_397 : i32 to vector<512x512xi32>
    %select_n3A_399 = arith.select %eq3A_396, %iota3A, %broadcast_in_dim3A_398 : vector<512x512xi1>, vector<512x512xi32>
    %reduce_min3A_400 = arith.constant dense<2147483647> : vector<512xi32>
    %reduce_min3A_401 = vector.multi_reduction <minsi>, %select_n3A_399, %reduce_min3A_400 [1] : vector<512x512xi32> to vector<512xi32>
    %broadcast_in_dim3A_402 = vector.shape_cast %reduce_min3A_401 : vector<512xi32> to vector<512x1xi32>
    %swap3A_403 = arith.constant 0 : index
    %swap3A_404 = arith.constant 0 : index
    %swap3A_405 = arith.constant 11 : index
    %swap3A_406 = vector.load %arg6[%swap3A_403, %swap3A_404, %swap3A_405] : memref<1x512x30xi32, #tpu.memory_space<vmem>>, vector<1x512x1xi32>
    %swap3A_407 = vector.shape_cast %swap3A_406 : vector<1x512x1xi32> to vector<512x1xi32>
    %swap3A_408 = vector.shape_cast %broadcast_in_dim3A_402 : vector<512x1xi32> to vector<1x512x1xi32>
    tpu.vector_store %arg6[%swap3A_403, %swap3A_404, %swap3A_405], %swap3A_408 {strides = array<i32>} : memref<1x512x30xi32, #tpu.memory_space<vmem>>, vector<1x512x1xi32>,
    %eq3A_409 = vector.broadcast %broadcast_in_dim3A_402 : vector<512x1xi32> to vector<512x512xi32>
    %eq3A_410 = arith.cmpi eq, %iota3A, %eq3A_409 : vector<512x512xi32>
    %jit3A_411 = arith.constant 0x7F800000 : f32
    %broadcast_in_dim3A_412 = vector.broadcast %jit3A_411 : f32 to vector<512x512xf32>
    %select_n3A_413 = arith.select %eq3A_410, %broadcast_in_dim3A_412, %get3A_391 : vector<512x512xi1>, vector<512x512xf32>
    %swap3A_414 = arith.constant 0 : index
    %swap3A_415 = arith.constant 0 : index
    %swap3A_416 = vector.load %arg7[%swap3A_414, %swap3A_415] : memref<512x512xf32, #tpu.memory_space<vmem>>, vector<512x512xf32>
    tpu.vector_store %arg7[%swap3A_414, %swap3A_415], %select_n3A_413 {strides = array<i32>} : memref<512x512xf32, #tpu.memory_space<vmem>>, vector<512x512xf32>,
    %get3A_417 = arith.constant 0 : index
    %get3A_418 = arith.constant 0 : index
    %get3A_419 = vector.load %arg7[%get3A_417, %get3A_418] : memref<512x512xf32, #tpu.memory_space<vmem>>, vector<512x512xf32>
    %reduce_min3A_420 = arith.constant dense<0x7F800000> : vector<512xf32>
    %reduce_min3A_421 = vector.multi_reduction <minimumf>, %get3A_419, %reduce_min3A_420 [1] : vector<512x512xf32> to vector<512xf32>
    %broadcast_in_dim3A_422 = vector.shape_cast %reduce_min3A_421 : vector<512xf32> to vector<512x1xf32>
    %eq3A_423 = vector.broadcast %broadcast_in_dim3A_422 : vector<512x1xf32> to vector<512x512xf32>
    %eq3A_424 = arith.cmpf oeq, %get3A_419, %eq3A_423 : vector<512x512xf32>
    %jit3A_425 = arith.constant 1048576 : i32
    %broadcast_in_dim3A_426 = vector.broadcast %jit3A_425 : i32 to vector<512x512xi32>
    %select_n3A_427 = arith.select %eq3A_424, %iota3A, %broadcast_in_dim3A_426 : vector<512x512xi1>, vector<512x512xi32>
    %reduce_min3A_428 = arith.constant dense<2147483647> : vector<512xi32>
    %reduce_min3A_429 = vector.multi_reduction <minsi>, %select_n3A_427, %reduce_min3A_428 [1] : vector<512x512xi32> to vector<512xi32>
    %broadcast_in_dim3A_430 = vector.shape_cast %reduce_min3A_429 : vector<512xi32> to vector<512x1xi32>
    %swap3A_431 = arith.constant 0 : index
    %swap3A_432 = arith.constant 0 : index
    %swap3A_433 = arith.constant 12 : index
    %swap3A_434 = vector.load %arg6[%swap3A_431, %swap3A_432, %swap3A_433] : memref<1x512x30xi32, #tpu.memory_space<vmem>>, vector<1x512x1xi32>
    %swap3A_435 = vector.shape_cast %swap3A_434 : vector<1x512x1xi32> to vector<512x1xi32>
    %swap3A_436 = vector.shape_cast %broadcast_in_dim3A_430 : vector<512x1xi32> to vector<1x512x1xi32>
    tpu.vector_store %arg6[%swap3A_431, %swap3A_432, %swap3A_433], %swap3A_436 {strides = array<i32>} : memref<1x512x30xi32, #tpu.memory_space<vmem>>, vector<1x512x1xi32>,
    %eq3A_437 = vector.broadcast %broadcast_in_dim3A_430 : vector<512x1xi32> to vector<512x512xi32>
    %eq3A_438 = arith.cmpi eq, %iota3A, %eq3A_437 : vector<512x512xi32>
    %jit3A_439 = arith.constant 0x7F800000 : f32
    %broadcast_in_dim3A_440 = vector.broadcast %jit3A_439 : f32 to vector<512x512xf32>
    %select_n3A_441 = arith.select %eq3A_438, %broadcast_in_dim3A_440, %get3A_419 : vector<512x512xi1>, vector<512x512xf32>
    %swap3A_442 = arith.constant 0 : index
    %swap3A_443 = arith.constant 0 : index
    %swap3A_444 = vector.load %arg7[%swap3A_442, %swap3A_443] : memref<512x512xf32, #tpu.memory_space<vmem>>, vector<512x512xf32>
    tpu.vector_store %arg7[%swap3A_442, %swap3A_443], %select_n3A_441 {strides = array<i32>} : memref<512x512xf32, #tpu.memory_space<vmem>>, vector<512x512xf32>,
    %get3A_445 = arith.constant 0 : index
    %get3A_446 = arith.constant 0 : index
    %get3A_447 = vector.load %arg7[%get3A_445, %get3A_446] : memref<512x512xf32, #tpu.memory_space<vmem>>, vector<512x512xf32>
    %reduce_min3A_448 = arith.constant dense<0x7F800000> : vector<512xf32>
    %reduce_min3A_449 = vector.multi_reduction <minimumf>, %get3A_447, %reduce_min3A_448 [1] : vector<512x512xf32> to vector<512xf32>
    %broadcast_in_dim3A_450 = vector.shape_cast %reduce_min3A_449 : vector<512xf32> to vector<512x1xf32>
    %eq3A_451 = vector.broadcast %broadcast_in_dim3A_450 : vector<512x1xf32> to vector<512x512xf32>
    %eq3A_452 = arith.cmpf oeq, %get3A_447, %eq3A_451 : vector<512x512xf32>
    %jit3A_453 = arith.constant 1048576 : i32
    %broadcast_in_dim3A_454 = vector.broadcast %jit3A_453 : i32 to vector<512x512xi32>
    %select_n3A_455 = arith.select %eq3A_452, %iota3A, %broadcast_in_dim3A_454 : vector<512x512xi1>, vector<512x512xi32>
    %reduce_min3A_456 = arith.constant dense<2147483647> : vector<512xi32>
    %reduce_min3A_457 = vector.multi_reduction <minsi>, %select_n3A_455, %reduce_min3A_456 [1] : vector<512x512xi32> to vector<512xi32>
    %broadcast_in_dim3A_458 = vector.shape_cast %reduce_min3A_457 : vector<512xi32> to vector<512x1xi32>
    %swap3A_459 = arith.constant 0 : index
    %swap3A_460 = arith.constant 0 : index
    %swap3A_461 = arith.constant 13 : index
    %swap3A_462 = vector.load %arg6[%swap3A_459, %swap3A_460, %swap3A_461] : memref<1x512x30xi32, #tpu.memory_space<vmem>>, vector<1x512x1xi32>
    %swap3A_463 = vector.shape_cast %swap3A_462 : vector<1x512x1xi32> to vector<512x1xi32>
    %swap3A_464 = vector.shape_cast %broadcast_in_dim3A_458 : vector<512x1xi32> to vector<1x512x1xi32>
    tpu.vector_store %arg6[%swap3A_459, %swap3A_460, %swap3A_461], %swap3A_464 {strides = array<i32>} : memref<1x512x30xi32, #tpu.memory_space<vmem>>, vector<1x512x1xi32>,
    %eq3A_465 = vector.broadcast %broadcast_in_dim3A_458 : vector<512x1xi32> to vector<512x512xi32>
    %eq3A_466 = arith.cmpi eq, %iota3A, %eq3A_465 : vector<512x512xi32>
    %jit3A_467 = arith.constant 0x7F800000 : f32
    %broadcast_in_dim3A_468 = vector.broadcast %jit3A_467 : f32 to vector<512x512xf32>
    %select_n3A_469 = arith.select %eq3A_466, %broadcast_in_dim3A_468, %get3A_447 : vector<512x512xi1>, vector<512x512xf32>
    %swap3A_470 = arith.constant 0 : index
    %swap3A_471 = arith.constant 0 : index
    %swap3A_472 = vector.load %arg7[%swap3A_470, %swap3A_471] : memref<512x512xf32, #tpu.memory_space<vmem>>, vector<512x512xf32>
    tpu.vector_store %arg7[%swap3A_470, %swap3A_471], %select_n3A_469 {strides = array<i32>} : memref<512x512xf32, #tpu.memory_space<vmem>>, vector<512x512xf32>,
    %get3A_473 = arith.constant 0 : index
    %get3A_474 = arith.constant 0 : index
    %get3A_475 = vector.load %arg7[%get3A_473, %get3A_474] : memref<512x512xf32, #tpu.memory_space<vmem>>, vector<512x512xf32>
    %reduce_min3A_476 = arith.constant dense<0x7F800000> : vector<512xf32>
    %reduce_min3A_477 = vector.multi_reduction <minimumf>, %get3A_475, %reduce_min3A_476 [1] : vector<512x512xf32> to vector<512xf32>
    %broadcast_in_dim3A_478 = vector.shape_cast %reduce_min3A_477 : vector<512xf32> to vector<512x1xf32>
    %eq3A_479 = vector.broadcast %broadcast_in_dim3A_478 : vector<512x1xf32> to vector<512x512xf32>
    %eq3A_480 = arith.cmpf oeq, %get3A_475, %eq3A_479 : vector<512x512xf32>
    %jit3A_481 = arith.constant 1048576 : i32
    %broadcast_in_dim3A_482 = vector.broadcast %jit3A_481 : i32 to vector<512x512xi32>
    %select_n3A_483 = arith.select %eq3A_480, %iota3A, %broadcast_in_dim3A_482 : vector<512x512xi1>, vector<512x512xi32>
    %reduce_min3A_484 = arith.constant dense<2147483647> : vector<512xi32>
    %reduce_min3A_485 = vector.multi_reduction <minsi>, %select_n3A_483, %reduce_min3A_484 [1] : vector<512x512xi32> to vector<512xi32>
    %broadcast_in_dim3A_486 = vector.shape_cast %reduce_min3A_485 : vector<512xi32> to vector<512x1xi32>
    %swap3A_487 = arith.constant 0 : index
    %swap3A_488 = arith.constant 0 : index
    %swap3A_489 = arith.constant 14 : index
    %swap3A_490 = vector.load %arg6[%swap3A_487, %swap3A_488, %swap3A_489] : memref<1x512x30xi32, #tpu.memory_space<vmem>>, vector<1x512x1xi32>
    %swap3A_491 = vector.shape_cast %swap3A_490 : vector<1x512x1xi32> to vector<512x1xi32>
    %swap3A_492 = vector.shape_cast %broadcast_in_dim3A_486 : vector<512x1xi32> to vector<1x512x1xi32>
    tpu.vector_store %arg6[%swap3A_487, %swap3A_488, %swap3A_489], %swap3A_492 {strides = array<i32>} : memref<1x512x30xi32, #tpu.memory_space<vmem>>, vector<1x512x1xi32>,
    %eq3A_493 = vector.broadcast %broadcast_in_dim3A_486 : vector<512x1xi32> to vector<512x512xi32>
    %eq3A_494 = arith.cmpi eq, %iota3A, %eq3A_493 : vector<512x512xi32>
    %jit3A_495 = arith.constant 0x7F800000 : f32
    %broadcast_in_dim3A_496 = vector.broadcast %jit3A_495 : f32 to vector<512x512xf32>
    %select_n3A_497 = arith.select %eq3A_494, %broadcast_in_dim3A_496, %get3A_475 : vector<512x512xi1>, vector<512x512xf32>
    %swap3A_498 = arith.constant 0 : index
    %swap3A_499 = arith.constant 0 : index
    %swap3A_500 = vector.load %arg7[%swap3A_498, %swap3A_499] : memref<512x512xf32, #tpu.memory_space<vmem>>, vector<512x512xf32>
    tpu.vector_store %arg7[%swap3A_498, %swap3A_499], %select_n3A_497 {strides = array<i32>} : memref<512x512xf32, #tpu.memory_space<vmem>>, vector<512x512xf32>,
    %get3A_501 = arith.constant 0 : index
    %get3A_502 = arith.constant 0 : index
    %get3A_503 = vector.load %arg7[%get3A_501, %get3A_502] : memref<512x512xf32, #tpu.memory_space<vmem>>, vector<512x512xf32>
    %reduce_min3A_504 = arith.constant dense<0x7F800000> : vector<512xf32>
    %reduce_min3A_505 = vector.multi_reduction <minimumf>, %get3A_503, %reduce_min3A_504 [1] : vector<512x512xf32> to vector<512xf32>
    %broadcast_in_dim3A_506 = vector.shape_cast %reduce_min3A_505 : vector<512xf32> to vector<512x1xf32>
    %eq3A_507 = vector.broadcast %broadcast_in_dim3A_506 : vector<512x1xf32> to vector<512x512xf32>
    %eq3A_508 = arith.cmpf oeq, %get3A_503, %eq3A_507 : vector<512x512xf32>
    %jit3A_509 = arith.constant 1048576 : i32
    %broadcast_in_dim3A_510 = vector.broadcast %jit3A_509 : i32 to vector<512x512xi32>
    %select_n3A_511 = arith.select %eq3A_508, %iota3A, %broadcast_in_dim3A_510 : vector<512x512xi1>, vector<512x512xi32>
    %reduce_min3A_512 = arith.constant dense<2147483647> : vector<512xi32>
    %reduce_min3A_513 = vector.multi_reduction <minsi>, %select_n3A_511, %reduce_min3A_512 [1] : vector<512x512xi32> to vector<512xi32>
    %broadcast_in_dim3A_514 = vector.shape_cast %reduce_min3A_513 : vector<512xi32> to vector<512x1xi32>
    %swap3A_515 = arith.constant 0 : index
    %swap3A_516 = arith.constant 0 : index
    %swap3A_517 = arith.constant 15 : index
    %swap3A_518 = vector.load %arg6[%swap3A_515, %swap3A_516, %swap3A_517] : memref<1x512x30xi32, #tpu.memory_space<vmem>>, vector<1x512x1xi32>
    %swap3A_519 = vector.shape_cast %swap3A_518 : vector<1x512x1xi32> to vector<512x1xi32>
    %swap3A_520 = vector.shape_cast %broadcast_in_dim3A_514 : vector<512x1xi32> to vector<1x512x1xi32>
    tpu.vector_store %arg6[%swap3A_515, %swap3A_516, %swap3A_517], %swap3A_520 {strides = array<i32>} : memref<1x512x30xi32, #tpu.memory_space<vmem>>, vector<1x512x1xi32>,
    %eq3A_521 = vector.broadcast %broadcast_in_dim3A_514 : vector<512x1xi32> to vector<512x512xi32>
    %eq3A_522 = arith.cmpi eq, %iota3A, %eq3A_521 : vector<512x512xi32>
    %jit3A_523 = arith.constant 0x7F800000 : f32
    %broadcast_in_dim3A_524 = vector.broadcast %jit3A_523 : f32 to vector<512x512xf32>
    %select_n3A_525 = arith.select %eq3A_522, %broadcast_in_dim3A_524, %get3A_503 : vector<512x512xi1>, vector<512x512xf32>
    %swap3A_526 = arith.constant 0 : index
    %swap3A_527 = arith.constant 0 : index
    %swap3A_528 = vector.load %arg7[%swap3A_526, %swap3A_527] : memref<512x512xf32, #tpu.memory_space<vmem>>, vector<512x512xf32>
    tpu.vector_store %arg7[%swap3A_526, %swap3A_527], %select_n3A_525 {strides = array<i32>} : memref<512x512xf32, #tpu.memory_space<vmem>>, vector<512x512xf32>,
    %get3A_529 = arith.constant 0 : index
    %get3A_530 = arith.constant 0 : index
    %get3A_531 = vector.load %arg7[%get3A_529, %get3A_530] : memref<512x512xf32, #tpu.memory_space<vmem>>, vector<512x512xf32>
    %reduce_min3A_532 = arith.constant dense<0x7F800000> : vector<512xf32>
    %reduce_min3A_533 = vector.multi_reduction <minimumf>, %get3A_531, %reduce_min3A_532 [1] : vector<512x512xf32> to vector<512xf32>
    %broadcast_in_dim3A_534 = vector.shape_cast %reduce_min3A_533 : vector<512xf32> to vector<512x1xf32>
    %eq3A_535 = vector.broadcast %broadcast_in_dim3A_534 : vector<512x1xf32> to vector<512x512xf32>
    %eq3A_536 = arith.cmpf oeq, %get3A_531, %eq3A_535 : vector<512x512xf32>
    %jit3A_537 = arith.constant 1048576 : i32
    %broadcast_in_dim3A_538 = vector.broadcast %jit3A_537 : i32 to vector<512x512xi32>
    %select_n3A_539 = arith.select %eq3A_536, %iota3A, %broadcast_in_dim3A_538 : vector<512x512xi1>, vector<512x512xi32>
    %reduce_min3A_540 = arith.constant dense<2147483647> : vector<512xi32>
    %reduce_min3A_541 = vector.multi_reduction <minsi>, %select_n3A_539, %reduce_min3A_540 [1] : vector<512x512xi32> to vector<512xi32>
    %broadcast_in_dim3A_542 = vector.shape_cast %reduce_min3A_541 : vector<512xi32> to vector<512x1xi32>
    %swap3A_543 = arith.constant 0 : index
    %swap3A_544 = arith.constant 0 : index
    %swap3A_545 = arith.constant 16 : index
    %swap3A_546 = vector.load %arg6[%swap3A_543, %swap3A_544, %swap3A_545] : memref<1x512x30xi32, #tpu.memory_space<vmem>>, vector<1x512x1xi32>
    %swap3A_547 = vector.shape_cast %swap3A_546 : vector<1x512x1xi32> to vector<512x1xi32>
    %swap3A_548 = vector.shape_cast %broadcast_in_dim3A_542 : vector<512x1xi32> to vector<1x512x1xi32>
    tpu.vector_store %arg6[%swap3A_543, %swap3A_544, %swap3A_545], %swap3A_548 {strides = array<i32>} : memref<1x512x30xi32, #tpu.memory_space<vmem>>, vector<1x512x1xi32>,
    %eq3A_549 = vector.broadcast %broadcast_in_dim3A_542 : vector<512x1xi32> to vector<512x512xi32>
    %eq3A_550 = arith.cmpi eq, %iota3A, %eq3A_549 : vector<512x512xi32>
    %jit3A_551 = arith.constant 0x7F800000 : f32
    %broadcast_in_dim3A_552 = vector.broadcast %jit3A_551 : f32 to vector<512x512xf32>
    %select_n3A_553 = arith.select %eq3A_550, %broadcast_in_dim3A_552, %get3A_531 : vector<512x512xi1>, vector<512x512xf32>
    %swap3A_554 = arith.constant 0 : index
    %swap3A_555 = arith.constant 0 : index
    %swap3A_556 = vector.load %arg7[%swap3A_554, %swap3A_555] : memref<512x512xf32, #tpu.memory_space<vmem>>, vector<512x512xf32>
    tpu.vector_store %arg7[%swap3A_554, %swap3A_555], %select_n3A_553 {strides = array<i32>} : memref<512x512xf32, #tpu.memory_space<vmem>>, vector<512x512xf32>,
    %get3A_557 = arith.constant 0 : index
    %get3A_558 = arith.constant 0 : index
    %get3A_559 = vector.load %arg7[%get3A_557, %get3A_558] : memref<512x512xf32, #tpu.memory_space<vmem>>, vector<512x512xf32>
    %reduce_min3A_560 = arith.constant dense<0x7F800000> : vector<512xf32>
    %reduce_min3A_561 = vector.multi_reduction <minimumf>, %get3A_559, %reduce_min3A_560 [1] : vector<512x512xf32> to vector<512xf32>
    %broadcast_in_dim3A_562 = vector.shape_cast %reduce_min3A_561 : vector<512xf32> to vector<512x1xf32>
    %eq3A_563 = vector.broadcast %broadcast_in_dim3A_562 : vector<512x1xf32> to vector<512x512xf32>
    %eq3A_564 = arith.cmpf oeq, %get3A_559, %eq3A_563 : vector<512x512xf32>
    %jit3A_565 = arith.constant 1048576 : i32
    %broadcast_in_dim3A_566 = vector.broadcast %jit3A_565 : i32 to vector<512x512xi32>
    %select_n3A_567 = arith.select %eq3A_564, %iota3A, %broadcast_in_dim3A_566 : vector<512x512xi1>, vector<512x512xi32>
    %reduce_min3A_568 = arith.constant dense<2147483647> : vector<512xi32>
    %reduce_min3A_569 = vector.multi_reduction <minsi>, %select_n3A_567, %reduce_min3A_568 [1] : vector<512x512xi32> to vector<512xi32>
    %broadcast_in_dim3A_570 = vector.shape_cast %reduce_min3A_569 : vector<512xi32> to vector<512x1xi32>
    %swap3A_571 = arith.constant 0 : index
    %swap3A_572 = arith.constant 0 : index
    %swap3A_573 = arith.constant 17 : index
    %swap3A_574 = vector.load %arg6[%swap3A_571, %swap3A_572, %swap3A_573] : memref<1x512x30xi32, #tpu.memory_space<vmem>>, vector<1x512x1xi32>
    %swap3A_575 = vector.shape_cast %swap3A_574 : vector<1x512x1xi32> to vector<512x1xi32>
    %swap3A_576 = vector.shape_cast %broadcast_in_dim3A_570 : vector<512x1xi32> to vector<1x512x1xi32>
    tpu.vector_store %arg6[%swap3A_571, %swap3A_572, %swap3A_573], %swap3A_576 {strides = array<i32>} : memref<1x512x30xi32, #tpu.memory_space<vmem>>, vector<1x512x1xi32>,
    %eq3A_577 = vector.broadcast %broadcast_in_dim3A_570 : vector<512x1xi32> to vector<512x512xi32>
    %eq3A_578 = arith.cmpi eq, %iota3A, %eq3A_577 : vector<512x512xi32>
    %jit3A_579 = arith.constant 0x7F800000 : f32
    %broadcast_in_dim3A_580 = vector.broadcast %jit3A_579 : f32 to vector<512x512xf32>
    %select_n3A_581 = arith.select %eq3A_578, %broadcast_in_dim3A_580, %get3A_559 : vector<512x512xi1>, vector<512x512xf32>
    %swap3A_582 = arith.constant 0 : index
    %swap3A_583 = arith.constant 0 : index
    %swap3A_584 = vector.load %arg7[%swap3A_582, %swap3A_583] : memref<512x512xf32, #tpu.memory_space<vmem>>, vector<512x512xf32>
    tpu.vector_store %arg7[%swap3A_582, %swap3A_583], %select_n3A_581 {strides = array<i32>} : memref<512x512xf32, #tpu.memory_space<vmem>>, vector<512x512xf32>,
    %get3A_585 = arith.constant 0 : index
    %get3A_586 = arith.constant 0 : index
    %get3A_587 = vector.load %arg7[%get3A_585, %get3A_586] : memref<512x512xf32, #tpu.memory_space<vmem>>, vector<512x512xf32>
    %reduce_min3A_588 = arith.constant dense<0x7F800000> : vector<512xf32>
    %reduce_min3A_589 = vector.multi_reduction <minimumf>, %get3A_587, %reduce_min3A_588 [1] : vector<512x512xf32> to vector<512xf32>
    %broadcast_in_dim3A_590 = vector.shape_cast %reduce_min3A_589 : vector<512xf32> to vector<512x1xf32>
    %eq3A_591 = vector.broadcast %broadcast_in_dim3A_590 : vector<512x1xf32> to vector<512x512xf32>
    %eq3A_592 = arith.cmpf oeq, %get3A_587, %eq3A_591 : vector<512x512xf32>
    %jit3A_593 = arith.constant 1048576 : i32
    %broadcast_in_dim3A_594 = vector.broadcast %jit3A_593 : i32 to vector<512x512xi32>
    %select_n3A_595 = arith.select %eq3A_592, %iota3A, %broadcast_in_dim3A_594 : vector<512x512xi1>, vector<512x512xi32>
    %reduce_min3A_596 = arith.constant dense<2147483647> : vector<512xi32>
    %reduce_min3A_597 = vector.multi_reduction <minsi>, %select_n3A_595, %reduce_min3A_596 [1] : vector<512x512xi32> to vector<512xi32>
    %broadcast_in_dim3A_598 = vector.shape_cast %reduce_min3A_597 : vector<512xi32> to vector<512x1xi32>
    %swap3A_599 = arith.constant 0 : index
    %swap3A_600 = arith.constant 0 : index
    %swap3A_601 = arith.constant 18 : index
    %swap3A_602 = vector.load %arg6[%swap3A_599, %swap3A_600, %swap3A_601] : memref<1x512x30xi32, #tpu.memory_space<vmem>>, vector<1x512x1xi32>
    %swap3A_603 = vector.shape_cast %swap3A_602 : vector<1x512x1xi32> to vector<512x1xi32>
    %swap3A_604 = vector.shape_cast %broadcast_in_dim3A_598 : vector<512x1xi32> to vector<1x512x1xi32>
    tpu.vector_store %arg6[%swap3A_599, %swap3A_600, %swap3A_601], %swap3A_604 {strides = array<i32>} : memref<1x512x30xi32, #tpu.memory_space<vmem>>, vector<1x512x1xi32>,
    %eq3A_605 = vector.broadcast %broadcast_in_dim3A_598 : vector<512x1xi32> to vector<512x512xi32>
    %eq3A_606 = arith.cmpi eq, %iota3A, %eq3A_605 : vector<512x512xi32>
    %jit3A_607 = arith.constant 0x7F800000 : f32
    %broadcast_in_dim3A_608 = vector.broadcast %jit3A_607 : f32 to vector<512x512xf32>
    %select_n3A_609 = arith.select %eq3A_606, %broadcast_in_dim3A_608, %get3A_587 : vector<512x512xi1>, vector<512x512xf32>
    %swap3A_610 = arith.constant 0 : index
    %swap3A_611 = arith.constant 0 : index
    %swap3A_612 = vector.load %arg7[%swap3A_610, %swap3A_611] : memref<512x512xf32, #tpu.memory_space<vmem>>, vector<512x512xf32>
    tpu.vector_store %arg7[%swap3A_610, %swap3A_611], %select_n3A_609 {strides = array<i32>} : memref<512x512xf32, #tpu.memory_space<vmem>>, vector<512x512xf32>,
    %get3A_613 = arith.constant 0 : index
    %get3A_614 = arith.constant 0 : index
    %get3A_615 = vector.load %arg7[%get3A_613, %get3A_614] : memref<512x512xf32, #tpu.memory_space<vmem>>, vector<512x512xf32>
    %reduce_min3A_616 = arith.constant dense<0x7F800000> : vector<512xf32>
    %reduce_min3A_617 = vector.multi_reduction <minimumf>, %get3A_615, %reduce_min3A_616 [1] : vector<512x512xf32> to vector<512xf32>
    %broadcast_in_dim3A_618 = vector.shape_cast %reduce_min3A_617 : vector<512xf32> to vector<512x1xf32>
    %eq3A_619 = vector.broadcast %broadcast_in_dim3A_618 : vector<512x1xf32> to vector<512x512xf32>
    %eq3A_620 = arith.cmpf oeq, %get3A_615, %eq3A_619 : vector<512x512xf32>
    %jit3A_621 = arith.constant 1048576 : i32
    %broadcast_in_dim3A_622 = vector.broadcast %jit3A_621 : i32 to vector<512x512xi32>
    %select_n3A_623 = arith.select %eq3A_620, %iota3A, %broadcast_in_dim3A_622 : vector<512x512xi1>, vector<512x512xi32>
    %reduce_min3A_624 = arith.constant dense<2147483647> : vector<512xi32>
    %reduce_min3A_625 = vector.multi_reduction <minsi>, %select_n3A_623, %reduce_min3A_624 [1] : vector<512x512xi32> to vector<512xi32>
    %broadcast_in_dim3A_626 = vector.shape_cast %reduce_min3A_625 : vector<512xi32> to vector<512x1xi32>
    %swap3A_627 = arith.constant 0 : index
    %swap3A_628 = arith.constant 0 : index
    %swap3A_629 = arith.constant 19 : index
    %swap3A_630 = vector.load %arg6[%swap3A_627, %swap3A_628, %swap3A_629] : memref<1x512x30xi32, #tpu.memory_space<vmem>>, vector<1x512x1xi32>
    %swap3A_631 = vector.shape_cast %swap3A_630 : vector<1x512x1xi32> to vector<512x1xi32>
    %swap3A_632 = vector.shape_cast %broadcast_in_dim3A_626 : vector<512x1xi32> to vector<1x512x1xi32>
    tpu.vector_store %arg6[%swap3A_627, %swap3A_628, %swap3A_629], %swap3A_632 {strides = array<i32>} : memref<1x512x30xi32, #tpu.memory_space<vmem>>, vector<1x512x1xi32>,
    %eq3A_633 = vector.broadcast %broadcast_in_dim3A_626 : vector<512x1xi32> to vector<512x512xi32>
    %eq3A_634 = arith.cmpi eq, %iota3A, %eq3A_633 : vector<512x512xi32>
    %jit3A_635 = arith.constant 0x7F800000 : f32
    %broadcast_in_dim3A_636 = vector.broadcast %jit3A_635 : f32 to vector<512x512xf32>
    %select_n3A_637 = arith.select %eq3A_634, %broadcast_in_dim3A_636, %get3A_615 : vector<512x512xi1>, vector<512x512xf32>
    %swap3A_638 = arith.constant 0 : index
    %swap3A_639 = arith.constant 0 : index
    %swap3A_640 = vector.load %arg7[%swap3A_638, %swap3A_639] : memref<512x512xf32, #tpu.memory_space<vmem>>, vector<512x512xf32>
    tpu.vector_store %arg7[%swap3A_638, %swap3A_639], %select_n3A_637 {strides = array<i32>} : memref<512x512xf32, #tpu.memory_space<vmem>>, vector<512x512xf32>,
    %get3A_641 = arith.constant 0 : index
    %get3A_642 = arith.constant 0 : index
    %get3A_643 = vector.load %arg7[%get3A_641, %get3A_642] : memref<512x512xf32, #tpu.memory_space<vmem>>, vector<512x512xf32>
    %reduce_min3A_644 = arith.constant dense<0x7F800000> : vector<512xf32>
    %reduce_min3A_645 = vector.multi_reduction <minimumf>, %get3A_643, %reduce_min3A_644 [1] : vector<512x512xf32> to vector<512xf32>
    %broadcast_in_dim3A_646 = vector.shape_cast %reduce_min3A_645 : vector<512xf32> to vector<512x1xf32>
    %eq3A_647 = vector.broadcast %broadcast_in_dim3A_646 : vector<512x1xf32> to vector<512x512xf32>
    %eq3A_648 = arith.cmpf oeq, %get3A_643, %eq3A_647 : vector<512x512xf32>
    %jit3A_649 = arith.constant 1048576 : i32
    %broadcast_in_dim3A_650 = vector.broadcast %jit3A_649 : i32 to vector<512x512xi32>
    %select_n3A_651 = arith.select %eq3A_648, %iota3A, %broadcast_in_dim3A_650 : vector<512x512xi1>, vector<512x512xi32>
    %reduce_min3A_652 = arith.constant dense<2147483647> : vector<512xi32>
    %reduce_min3A_653 = vector.multi_reduction <minsi>, %select_n3A_651, %reduce_min3A_652 [1] : vector<512x512xi32> to vector<512xi32>
    %broadcast_in_dim3A_654 = vector.shape_cast %reduce_min3A_653 : vector<512xi32> to vector<512x1xi32>
    %swap3A_655 = arith.constant 0 : index
    %swap3A_656 = arith.constant 0 : index
    %swap3A_657 = arith.constant 20 : index
    %swap3A_658 = vector.load %arg6[%swap3A_655, %swap3A_656, %swap3A_657] : memref<1x512x30xi32, #tpu.memory_space<vmem>>, vector<1x512x1xi32>
    %swap3A_659 = vector.shape_cast %swap3A_658 : vector<1x512x1xi32> to vector<512x1xi32>
    %swap3A_660 = vector.shape_cast %broadcast_in_dim3A_654 : vector<512x1xi32> to vector<1x512x1xi32>
    tpu.vector_store %arg6[%swap3A_655, %swap3A_656, %swap3A_657], %swap3A_660 {strides = array<i32>} : memref<1x512x30xi32, #tpu.memory_space<vmem>>, vector<1x512x1xi32>,
    %eq3A_661 = vector.broadcast %broadcast_in_dim3A_654 : vector<512x1xi32> to vector<512x512xi32>
    %eq3A_662 = arith.cmpi eq, %iota3A, %eq3A_661 : vector<512x512xi32>
    %jit3A_663 = arith.constant 0x7F800000 : f32
    %broadcast_in_dim3A_664 = vector.broadcast %jit3A_663 : f32 to vector<512x512xf32>
    %select_n3A_665 = arith.select %eq3A_662, %broadcast_in_dim3A_664, %get3A_643 : vector<512x512xi1>, vector<512x512xf32>
    %swap3A_666 = arith.constant 0 : index
    %swap3A_667 = arith.constant 0 : index
    %swap3A_668 = vector.load %arg7[%swap3A_666, %swap3A_667] : memref<512x512xf32, #tpu.memory_space<vmem>>, vector<512x512xf32>
    tpu.vector_store %arg7[%swap3A_666, %swap3A_667], %select_n3A_665 {strides = array<i32>} : memref<512x512xf32, #tpu.memory_space<vmem>>, vector<512x512xf32>,
    %get3A_669 = arith.constant 0 : index
    %get3A_670 = arith.constant 0 : index
    %get3A_671 = vector.load %arg7[%get3A_669, %get3A_670] : memref<512x512xf32, #tpu.memory_space<vmem>>, vector<512x512xf32>
    %reduce_min3A_672 = arith.constant dense<0x7F800000> : vector<512xf32>
    %reduce_min3A_673 = vector.multi_reduction <minimumf>, %get3A_671, %reduce_min3A_672 [1] : vector<512x512xf32> to vector<512xf32>
    %broadcast_in_dim3A_674 = vector.shape_cast %reduce_min3A_673 : vector<512xf32> to vector<512x1xf32>
    %eq3A_675 = vector.broadcast %broadcast_in_dim3A_674 : vector<512x1xf32> to vector<512x512xf32>
    %eq3A_676 = arith.cmpf oeq, %get3A_671, %eq3A_675 : vector<512x512xf32>
    %jit3A_677 = arith.constant 1048576 : i32
    %broadcast_in_dim3A_678 = vector.broadcast %jit3A_677 : i32 to vector<512x512xi32>
    %select_n3A_679 = arith.select %eq3A_676, %iota3A, %broadcast_in_dim3A_678 : vector<512x512xi1>, vector<512x512xi32>
    %reduce_min3A_680 = arith.constant dense<2147483647> : vector<512xi32>
    %reduce_min3A_681 = vector.multi_reduction <minsi>, %select_n3A_679, %reduce_min3A_680 [1] : vector<512x512xi32> to vector<512xi32>
    %broadcast_in_dim3A_682 = vector.shape_cast %reduce_min3A_681 : vector<512xi32> to vector<512x1xi32>
    %swap3A_683 = arith.constant 0 : index
    %swap3A_684 = arith.constant 0 : index
    %swap3A_685 = arith.constant 21 : index
    %swap3A_686 = vector.load %arg6[%swap3A_683, %swap3A_684, %swap3A_685] : memref<1x512x30xi32, #tpu.memory_space<vmem>>, vector<1x512x1xi32>
    %swap3A_687 = vector.shape_cast %swap3A_686 : vector<1x512x1xi32> to vector<512x1xi32>
    %swap3A_688 = vector.shape_cast %broadcast_in_dim3A_682 : vector<512x1xi32> to vector<1x512x1xi32>
    tpu.vector_store %arg6[%swap3A_683, %swap3A_684, %swap3A_685], %swap3A_688 {strides = array<i32>} : memref<1x512x30xi32, #tpu.memory_space<vmem>>, vector<1x512x1xi32>,
    %eq3A_689 = vector.broadcast %broadcast_in_dim3A_682 : vector<512x1xi32> to vector<512x512xi32>
    %eq3A_690 = arith.cmpi eq, %iota3A, %eq3A_689 : vector<512x512xi32>
    %jit3A_691 = arith.constant 0x7F800000 : f32
    %broadcast_in_dim3A_692 = vector.broadcast %jit3A_691 : f32 to vector<512x512xf32>
    %select_n3A_693 = arith.select %eq3A_690, %broadcast_in_dim3A_692, %get3A_671 : vector<512x512xi1>, vector<512x512xf32>
    %swap3A_694 = arith.constant 0 : index
    %swap3A_695 = arith.constant 0 : index
    %swap3A_696 = vector.load %arg7[%swap3A_694, %swap3A_695] : memref<512x512xf32, #tpu.memory_space<vmem>>, vector<512x512xf32>
    tpu.vector_store %arg7[%swap3A_694, %swap3A_695], %select_n3A_693 {strides = array<i32>} : memref<512x512xf32, #tpu.memory_space<vmem>>, vector<512x512xf32>,
    %get3A_697 = arith.constant 0 : index
    %get3A_698 = arith.constant 0 : index
    %get3A_699 = vector.load %arg7[%get3A_697, %get3A_698] : memref<512x512xf32, #tpu.memory_space<vmem>>, vector<512x512xf32>
    %reduce_min3A_700 = arith.constant dense<0x7F800000> : vector<512xf32>
    %reduce_min3A_701 = vector.multi_reduction <minimumf>, %get3A_699, %reduce_min3A_700 [1] : vector<512x512xf32> to vector<512xf32>
    %broadcast_in_dim3A_702 = vector.shape_cast %reduce_min3A_701 : vector<512xf32> to vector<512x1xf32>
    %eq3A_703 = vector.broadcast %broadcast_in_dim3A_702 : vector<512x1xf32> to vector<512x512xf32>
    %eq3A_704 = arith.cmpf oeq, %get3A_699, %eq3A_703 : vector<512x512xf32>
    %jit3A_705 = arith.constant 1048576 : i32
    %broadcast_in_dim3A_706 = vector.broadcast %jit3A_705 : i32 to vector<512x512xi32>
    %select_n3A_707 = arith.select %eq3A_704, %iota3A, %broadcast_in_dim3A_706 : vector<512x512xi1>, vector<512x512xi32>
    %reduce_min3A_708 = arith.constant dense<2147483647> : vector<512xi32>
    %reduce_min3A_709 = vector.multi_reduction <minsi>, %select_n3A_707, %reduce_min3A_708 [1] : vector<512x512xi32> to vector<512xi32>
    %broadcast_in_dim3A_710 = vector.shape_cast %reduce_min3A_709 : vector<512xi32> to vector<512x1xi32>
    %swap3A_711 = arith.constant 0 : index
    %swap3A_712 = arith.constant 0 : index
    %swap3A_713 = arith.constant 22 : index
    %swap3A_714 = vector.load %arg6[%swap3A_711, %swap3A_712, %swap3A_713] : memref<1x512x30xi32, #tpu.memory_space<vmem>>, vector<1x512x1xi32>
    %swap3A_715 = vector.shape_cast %swap3A_714 : vector<1x512x1xi32> to vector<512x1xi32>
    %swap3A_716 = vector.shape_cast %broadcast_in_dim3A_710 : vector<512x1xi32> to vector<1x512x1xi32>
    tpu.vector_store %arg6[%swap3A_711, %swap3A_712, %swap3A_713], %swap3A_716 {strides = array<i32>} : memref<1x512x30xi32, #tpu.memory_space<vmem>>, vector<1x512x1xi32>,
    %eq3A_717 = vector.broadcast %broadcast_in_dim3A_710 : vector<512x1xi32> to vector<512x512xi32>
    %eq3A_718 = arith.cmpi eq, %iota3A, %eq3A_717 : vector<512x512xi32>
    %jit3A_719 = arith.constant 0x7F800000 : f32
    %broadcast_in_dim3A_720 = vector.broadcast %jit3A_719 : f32 to vector<512x512xf32>
    %select_n3A_721 = arith.select %eq3A_718, %broadcast_in_dim3A_720, %get3A_699 : vector<512x512xi1>, vector<512x512xf32>
    %swap3A_722 = arith.constant 0 : index
    %swap3A_723 = arith.constant 0 : index
    %swap3A_724 = vector.load %arg7[%swap3A_722, %swap3A_723] : memref<512x512xf32, #tpu.memory_space<vmem>>, vector<512x512xf32>
    tpu.vector_store %arg7[%swap3A_722, %swap3A_723], %select_n3A_721 {strides = array<i32>} : memref<512x512xf32, #tpu.memory_space<vmem>>, vector<512x512xf32>,
    %get3A_725 = arith.constant 0 : index
    %get3A_726 = arith.constant 0 : index
    %get3A_727 = vector.load %arg7[%get3A_725, %get3A_726] : memref<512x512xf32, #tpu.memory_space<vmem>>, vector<512x512xf32>
    %reduce_min3A_728 = arith.constant dense<0x7F800000> : vector<512xf32>
    %reduce_min3A_729 = vector.multi_reduction <minimumf>, %get3A_727, %reduce_min3A_728 [1] : vector<512x512xf32> to vector<512xf32>
    %broadcast_in_dim3A_730 = vector.shape_cast %reduce_min3A_729 : vector<512xf32> to vector<512x1xf32>
    %eq3A_731 = vector.broadcast %broadcast_in_dim3A_730 : vector<512x1xf32> to vector<512x512xf32>
    %eq3A_732 = arith.cmpf oeq, %get3A_727, %eq3A_731 : vector<512x512xf32>
    %jit3A_733 = arith.constant 1048576 : i32
    %broadcast_in_dim3A_734 = vector.broadcast %jit3A_733 : i32 to vector<512x512xi32>
    %select_n3A_735 = arith.select %eq3A_732, %iota3A, %broadcast_in_dim3A_734 : vector<512x512xi1>, vector<512x512xi32>
    %reduce_min3A_736 = arith.constant dense<2147483647> : vector<512xi32>
    %reduce_min3A_737 = vector.multi_reduction <minsi>, %select_n3A_735, %reduce_min3A_736 [1] : vector<512x512xi32> to vector<512xi32>
    %broadcast_in_dim3A_738 = vector.shape_cast %reduce_min3A_737 : vector<512xi32> to vector<512x1xi32>
    %swap3A_739 = arith.constant 0 : index
    %swap3A_740 = arith.constant 0 : index
    %swap3A_741 = arith.constant 23 : index
    %swap3A_742 = vector.load %arg6[%swap3A_739, %swap3A_740, %swap3A_741] : memref<1x512x30xi32, #tpu.memory_space<vmem>>, vector<1x512x1xi32>
    %swap3A_743 = vector.shape_cast %swap3A_742 : vector<1x512x1xi32> to vector<512x1xi32>
    %swap3A_744 = vector.shape_cast %broadcast_in_dim3A_738 : vector<512x1xi32> to vector<1x512x1xi32>
    tpu.vector_store %arg6[%swap3A_739, %swap3A_740, %swap3A_741], %swap3A_744 {strides = array<i32>} : memref<1x512x30xi32, #tpu.memory_space<vmem>>, vector<1x512x1xi32>,
    %eq3A_745 = vector.broadcast %broadcast_in_dim3A_738 : vector<512x1xi32> to vector<512x512xi32>
    %eq3A_746 = arith.cmpi eq, %iota3A, %eq3A_745 : vector<512x512xi32>
    %jit3A_747 = arith.constant 0x7F800000 : f32
    %broadcast_in_dim3A_748 = vector.broadcast %jit3A_747 : f32 to vector<512x512xf32>
    %select_n3A_749 = arith.select %eq3A_746, %broadcast_in_dim3A_748, %get3A_727 : vector<512x512xi1>, vector<512x512xf32>
    %swap3A_750 = arith.constant 0 : index
    %swap3A_751 = arith.constant 0 : index
    %swap3A_752 = vector.load %arg7[%swap3A_750, %swap3A_751] : memref<512x512xf32, #tpu.memory_space<vmem>>, vector<512x512xf32>
    tpu.vector_store %arg7[%swap3A_750, %swap3A_751], %select_n3A_749 {strides = array<i32>} : memref<512x512xf32, #tpu.memory_space<vmem>>, vector<512x512xf32>,
    %get3A_753 = arith.constant 0 : index
    %get3A_754 = arith.constant 0 : index
    %get3A_755 = vector.load %arg7[%get3A_753, %get3A_754] : memref<512x512xf32, #tpu.memory_space<vmem>>, vector<512x512xf32>
    %reduce_min3A_756 = arith.constant dense<0x7F800000> : vector<512xf32>
    %reduce_min3A_757 = vector.multi_reduction <minimumf>, %get3A_755, %reduce_min3A_756 [1] : vector<512x512xf32> to vector<512xf32>
    %broadcast_in_dim3A_758 = vector.shape_cast %reduce_min3A_757 : vector<512xf32> to vector<512x1xf32>
    %eq3A_759 = vector.broadcast %broadcast_in_dim3A_758 : vector<512x1xf32> to vector<512x512xf32>
    %eq3A_760 = arith.cmpf oeq, %get3A_755, %eq3A_759 : vector<512x512xf32>
    %jit3A_761 = arith.constant 1048576 : i32
    %broadcast_in_dim3A_762 = vector.broadcast %jit3A_761 : i32 to vector<512x512xi32>
    %select_n3A_763 = arith.select %eq3A_760, %iota3A, %broadcast_in_dim3A_762 : vector<512x512xi1>, vector<512x512xi32>
    %reduce_min3A_764 = arith.constant dense<2147483647> : vector<512xi32>
    %reduce_min3A_765 = vector.multi_reduction <minsi>, %select_n3A_763, %reduce_min3A_764 [1] : vector<512x512xi32> to vector<512xi32>
    %broadcast_in_dim3A_766 = vector.shape_cast %reduce_min3A_765 : vector<512xi32> to vector<512x1xi32>
    %swap3A_767 = arith.constant 0 : index
    %swap3A_768 = arith.constant 0 : index
    %swap3A_769 = arith.constant 24 : index
    %swap3A_770 = vector.load %arg6[%swap3A_767, %swap3A_768, %swap3A_769] : memref<1x512x30xi32, #tpu.memory_space<vmem>>, vector<1x512x1xi32>
    %swap3A_771 = vector.shape_cast %swap3A_770 : vector<1x512x1xi32> to vector<512x1xi32>
    %swap3A_772 = vector.shape_cast %broadcast_in_dim3A_766 : vector<512x1xi32> to vector<1x512x1xi32>
    tpu.vector_store %arg6[%swap3A_767, %swap3A_768, %swap3A_769], %swap3A_772 {strides = array<i32>} : memref<1x512x30xi32, #tpu.memory_space<vmem>>, vector<1x512x1xi32>,
    %eq3A_773 = vector.broadcast %broadcast_in_dim3A_766 : vector<512x1xi32> to vector<512x512xi32>
    %eq3A_774 = arith.cmpi eq, %iota3A, %eq3A_773 : vector<512x512xi32>
    %jit3A_775 = arith.constant 0x7F800000 : f32
    %broadcast_in_dim3A_776 = vector.broadcast %jit3A_775 : f32 to vector<512x512xf32>
    %select_n3A_777 = arith.select %eq3A_774, %broadcast_in_dim3A_776, %get3A_755 : vector<512x512xi1>, vector<512x512xf32>
    %swap3A_778 = arith.constant 0 : index
    %swap3A_779 = arith.constant 0 : index
    %swap3A_780 = vector.load %arg7[%swap3A_778, %swap3A_779] : memref<512x512xf32, #tpu.memory_space<vmem>>, vector<512x512xf32>
    tpu.vector_store %arg7[%swap3A_778, %swap3A_779], %select_n3A_777 {strides = array<i32>} : memref<512x512xf32, #tpu.memory_space<vmem>>, vector<512x512xf32>,
    %get3A_781 = arith.constant 0 : index
    %get3A_782 = arith.constant 0 : index
    %get3A_783 = vector.load %arg7[%get3A_781, %get3A_782] : memref<512x512xf32, #tpu.memory_space<vmem>>, vector<512x512xf32>
    %reduce_min3A_784 = arith.constant dense<0x7F800000> : vector<512xf32>
    %reduce_min3A_785 = vector.multi_reduction <minimumf>, %get3A_783, %reduce_min3A_784 [1] : vector<512x512xf32> to vector<512xf32>
    %broadcast_in_dim3A_786 = vector.shape_cast %reduce_min3A_785 : vector<512xf32> to vector<512x1xf32>
    %eq3A_787 = vector.broadcast %broadcast_in_dim3A_786 : vector<512x1xf32> to vector<512x512xf32>
    %eq3A_788 = arith.cmpf oeq, %get3A_783, %eq3A_787 : vector<512x512xf32>
    %jit3A_789 = arith.constant 1048576 : i32
    %broadcast_in_dim3A_790 = vector.broadcast %jit3A_789 : i32 to vector<512x512xi32>
    %select_n3A_791 = arith.select %eq3A_788, %iota3A, %broadcast_in_dim3A_790 : vector<512x512xi1>, vector<512x512xi32>
    %reduce_min3A_792 = arith.constant dense<2147483647> : vector<512xi32>
    %reduce_min3A_793 = vector.multi_reduction <minsi>, %select_n3A_791, %reduce_min3A_792 [1] : vector<512x512xi32> to vector<512xi32>
    %broadcast_in_dim3A_794 = vector.shape_cast %reduce_min3A_793 : vector<512xi32> to vector<512x1xi32>
    %swap3A_795 = arith.constant 0 : index
    %swap3A_796 = arith.constant 0 : index
    %swap3A_797 = arith.constant 25 : index
    %swap3A_798 = vector.load %arg6[%swap3A_795, %swap3A_796, %swap3A_797] : memref<1x512x30xi32, #tpu.memory_space<vmem>>, vector<1x512x1xi32>
    %swap3A_799 = vector.shape_cast %swap3A_798 : vector<1x512x1xi32> to vector<512x1xi32>
    %swap3A_800 = vector.shape_cast %broadcast_in_dim3A_794 : vector<512x1xi32> to vector<1x512x1xi32>
    tpu.vector_store %arg6[%swap3A_795, %swap3A_796, %swap3A_797], %swap3A_800 {strides = array<i32>} : memref<1x512x30xi32, #tpu.memory_space<vmem>>, vector<1x512x1xi32>,
    %eq3A_801 = vector.broadcast %broadcast_in_dim3A_794 : vector<512x1xi32> to vector<512x512xi32>
    %eq3A_802 = arith.cmpi eq, %iota3A, %eq3A_801 : vector<512x512xi32>
    %jit3A_803 = arith.constant 0x7F800000 : f32
    %broadcast_in_dim3A_804 = vector.broadcast %jit3A_803 : f32 to vector<512x512xf32>
    %select_n3A_805 = arith.select %eq3A_802, %broadcast_in_dim3A_804, %get3A_783 : vector<512x512xi1>, vector<512x512xf32>
    %swap3A_806 = arith.constant 0 : index
    %swap3A_807 = arith.constant 0 : index
    %swap3A_808 = vector.load %arg7[%swap3A_806, %swap3A_807] : memref<512x512xf32, #tpu.memory_space<vmem>>, vector<512x512xf32>
    tpu.vector_store %arg7[%swap3A_806, %swap3A_807], %select_n3A_805 {strides = array<i32>} : memref<512x512xf32, #tpu.memory_space<vmem>>, vector<512x512xf32>,
    %get3A_809 = arith.constant 0 : index
    %get3A_810 = arith.constant 0 : index
    %get3A_811 = vector.load %arg7[%get3A_809, %get3A_810] : memref<512x512xf32, #tpu.memory_space<vmem>>, vector<512x512xf32>
    %reduce_min3A_812 = arith.constant dense<0x7F800000> : vector<512xf32>
    %reduce_min3A_813 = vector.multi_reduction <minimumf>, %get3A_811, %reduce_min3A_812 [1] : vector<512x512xf32> to vector<512xf32>
    %broadcast_in_dim3A_814 = vector.shape_cast %reduce_min3A_813 : vector<512xf32> to vector<512x1xf32>
    %eq3A_815 = vector.broadcast %broadcast_in_dim3A_814 : vector<512x1xf32> to vector<512x512xf32>
    %eq3A_816 = arith.cmpf oeq, %get3A_811, %eq3A_815 : vector<512x512xf32>
    %jit3A_817 = arith.constant 1048576 : i32
    %broadcast_in_dim3A_818 = vector.broadcast %jit3A_817 : i32 to vector<512x512xi32>
    %select_n3A_819 = arith.select %eq3A_816, %iota3A, %broadcast_in_dim3A_818 : vector<512x512xi1>, vector<512x512xi32>
    %reduce_min3A_820 = arith.constant dense<2147483647> : vector<512xi32>
    %reduce_min3A_821 = vector.multi_reduction <minsi>, %select_n3A_819, %reduce_min3A_820 [1] : vector<512x512xi32> to vector<512xi32>
    %broadcast_in_dim3A_822 = vector.shape_cast %reduce_min3A_821 : vector<512xi32> to vector<512x1xi32>
    %swap3A_823 = arith.constant 0 : index
    %swap3A_824 = arith.constant 0 : index
    %swap3A_825 = arith.constant 26 : index
    %swap3A_826 = vector.load %arg6[%swap3A_823, %swap3A_824, %swap3A_825] : memref<1x512x30xi32, #tpu.memory_space<vmem>>, vector<1x512x1xi32>
    %swap3A_827 = vector.shape_cast %swap3A_826 : vector<1x512x1xi32> to vector<512x1xi32>
    %swap3A_828 = vector.shape_cast %broadcast_in_dim3A_822 : vector<512x1xi32> to vector<1x512x1xi32>
    tpu.vector_store %arg6[%swap3A_823, %swap3A_824, %swap3A_825], %swap3A_828 {strides = array<i32>} : memref<1x512x30xi32, #tpu.memory_space<vmem>>, vector<1x512x1xi32>,
    %eq3A_829 = vector.broadcast %broadcast_in_dim3A_822 : vector<512x1xi32> to vector<512x512xi32>
    %eq3A_830 = arith.cmpi eq, %iota3A, %eq3A_829 : vector<512x512xi32>
    %jit3A_831 = arith.constant 0x7F800000 : f32
    %broadcast_in_dim3A_832 = vector.broadcast %jit3A_831 : f32 to vector<512x512xf32>
    %select_n3A_833 = arith.select %eq3A_830, %broadcast_in_dim3A_832, %get3A_811 : vector<512x512xi1>, vector<512x512xf32>
    %swap3A_834 = arith.constant 0 : index
    %swap3A_835 = arith.constant 0 : index
    %swap3A_836 = vector.load %arg7[%swap3A_834, %swap3A_835] : memref<512x512xf32, #tpu.memory_space<vmem>>, vector<512x512xf32>
    tpu.vector_store %arg7[%swap3A_834, %swap3A_835], %select_n3A_833 {strides = array<i32>} : memref<512x512xf32, #tpu.memory_space<vmem>>, vector<512x512xf32>,
    %get3A_837 = arith.constant 0 : index
    %get3A_838 = arith.constant 0 : index
    %get3A_839 = vector.load %arg7[%get3A_837, %get3A_838] : memref<512x512xf32, #tpu.memory_space<vmem>>, vector<512x512xf32>
    %reduce_min3A_840 = arith.constant dense<0x7F800000> : vector<512xf32>
    %reduce_min3A_841 = vector.multi_reduction <minimumf>, %get3A_839, %reduce_min3A_840 [1] : vector<512x512xf32> to vector<512xf32>
    %broadcast_in_dim3A_842 = vector.shape_cast %reduce_min3A_841 : vector<512xf32> to vector<512x1xf32>
    %eq3A_843 = vector.broadcast %broadcast_in_dim3A_842 : vector<512x1xf32> to vector<512x512xf32>
    %eq3A_844 = arith.cmpf oeq, %get3A_839, %eq3A_843 : vector<512x512xf32>
    %jit3A_845 = arith.constant 1048576 : i32
    %broadcast_in_dim3A_846 = vector.broadcast %jit3A_845 : i32 to vector<512x512xi32>
    %select_n3A_847 = arith.select %eq3A_844, %iota3A, %broadcast_in_dim3A_846 : vector<512x512xi1>, vector<512x512xi32>
    %reduce_min3A_848 = arith.constant dense<2147483647> : vector<512xi32>
    %reduce_min3A_849 = vector.multi_reduction <minsi>, %select_n3A_847, %reduce_min3A_848 [1] : vector<512x512xi32> to vector<512xi32>
    %broadcast_in_dim3A_850 = vector.shape_cast %reduce_min3A_849 : vector<512xi32> to vector<512x1xi32>
    %swap3A_851 = arith.constant 0 : index
    %swap3A_852 = arith.constant 0 : index
    %swap3A_853 = arith.constant 27 : index
    %swap3A_854 = vector.load %arg6[%swap3A_851, %swap3A_852, %swap3A_853] : memref<1x512x30xi32, #tpu.memory_space<vmem>>, vector<1x512x1xi32>
    %swap3A_855 = vector.shape_cast %swap3A_854 : vector<1x512x1xi32> to vector<512x1xi32>
    %swap3A_856 = vector.shape_cast %broadcast_in_dim3A_850 : vector<512x1xi32> to vector<1x512x1xi32>
    tpu.vector_store %arg6[%swap3A_851, %swap3A_852, %swap3A_853], %swap3A_856 {strides = array<i32>} : memref<1x512x30xi32, #tpu.memory_space<vmem>>, vector<1x512x1xi32>,
    %eq3A_857 = vector.broadcast %broadcast_in_dim3A_850 : vector<512x1xi32> to vector<512x512xi32>
    %eq3A_858 = arith.cmpi eq, %iota3A, %eq3A_857 : vector<512x512xi32>
    %jit3A_859 = arith.constant 0x7F800000 : f32
    %broadcast_in_dim3A_860 = vector.broadcast %jit3A_859 : f32 to vector<512x512xf32>
    %select_n3A_861 = arith.select %eq3A_858, %broadcast_in_dim3A_860, %get3A_839 : vector<512x512xi1>, vector<512x512xf32>
    %swap3A_862 = arith.constant 0 : index
    %swap3A_863 = arith.constant 0 : index
    %swap3A_864 = vector.load %arg7[%swap3A_862, %swap3A_863] : memref<512x512xf32, #tpu.memory_space<vmem>>, vector<512x512xf32>
    tpu.vector_store %arg7[%swap3A_862, %swap3A_863], %select_n3A_861 {strides = array<i32>} : memref<512x512xf32, #tpu.memory_space<vmem>>, vector<512x512xf32>,
    %get3A_865 = arith.constant 0 : index
    %get3A_866 = arith.constant 0 : index
    %get3A_867 = vector.load %arg7[%get3A_865, %get3A_866] : memref<512x512xf32, #tpu.memory_space<vmem>>, vector<512x512xf32>
    %reduce_min3A_868 = arith.constant dense<0x7F800000> : vector<512xf32>
    %reduce_min3A_869 = vector.multi_reduction <minimumf>, %get3A_867, %reduce_min3A_868 [1] : vector<512x512xf32> to vector<512xf32>
    %broadcast_in_dim3A_870 = vector.shape_cast %reduce_min3A_869 : vector<512xf32> to vector<512x1xf32>
    %eq3A_871 = vector.broadcast %broadcast_in_dim3A_870 : vector<512x1xf32> to vector<512x512xf32>
    %eq3A_872 = arith.cmpf oeq, %get3A_867, %eq3A_871 : vector<512x512xf32>
    %jit3A_873 = arith.constant 1048576 : i32
    %broadcast_in_dim3A_874 = vector.broadcast %jit3A_873 : i32 to vector<512x512xi32>
    %select_n3A_875 = arith.select %eq3A_872, %iota3A, %broadcast_in_dim3A_874 : vector<512x512xi1>, vector<512x512xi32>
    %reduce_min3A_876 = arith.constant dense<2147483647> : vector<512xi32>
    %reduce_min3A_877 = vector.multi_reduction <minsi>, %select_n3A_875, %reduce_min3A_876 [1] : vector<512x512xi32> to vector<512xi32>
    %broadcast_in_dim3A_878 = vector.shape_cast %reduce_min3A_877 : vector<512xi32> to vector<512x1xi32>
    %swap3A_879 = arith.constant 0 : index
    %swap3A_880 = arith.constant 0 : index
    %swap3A_881 = arith.constant 28 : index
    %swap3A_882 = vector.load %arg6[%swap3A_879, %swap3A_880, %swap3A_881] : memref<1x512x30xi32, #tpu.memory_space<vmem>>, vector<1x512x1xi32>
    %swap3A_883 = vector.shape_cast %swap3A_882 : vector<1x512x1xi32> to vector<512x1xi32>
    %swap3A_884 = vector.shape_cast %broadcast_in_dim3A_878 : vector<512x1xi32> to vector<1x512x1xi32>
    tpu.vector_store %arg6[%swap3A_879, %swap3A_880, %swap3A_881], %swap3A_884 {strides = array<i32>} : memref<1x512x30xi32, #tpu.memory_space<vmem>>, vector<1x512x1xi32>,
    %eq3A_885 = vector.broadcast %broadcast_in_dim3A_878 : vector<512x1xi32> to vector<512x512xi32>
    %eq3A_886 = arith.cmpi eq, %iota3A, %eq3A_885 : vector<512x512xi32>
    %jit3A_887 = arith.constant 0x7F800000 : f32
    %broadcast_in_dim3A_888 = vector.broadcast %jit3A_887 : f32 to vector<512x512xf32>
    %select_n3A_889 = arith.select %eq3A_886, %broadcast_in_dim3A_888, %get3A_867 : vector<512x512xi1>, vector<512x512xf32>
    %swap3A_890 = arith.constant 0 : index
    %swap3A_891 = arith.constant 0 : index
    %swap3A_892 = vector.load %arg7[%swap3A_890, %swap3A_891] : memref<512x512xf32, #tpu.memory_space<vmem>>, vector<512x512xf32>
    tpu.vector_store %arg7[%swap3A_890, %swap3A_891], %select_n3A_889 {strides = array<i32>} : memref<512x512xf32, #tpu.memory_space<vmem>>, vector<512x512xf32>,
    %get3A_893 = arith.constant 0 : index
    %get3A_894 = arith.constant 0 : index
    %get3A_895 = vector.load %arg7[%get3A_893, %get3A_894] : memref<512x512xf32, #tpu.memory_space<vmem>>, vector<512x512xf32>
    %reduce_min3A_896 = arith.constant dense<0x7F800000> : vector<512xf32>
    %reduce_min3A_897 = vector.multi_reduction <minimumf>, %get3A_895, %reduce_min3A_896 [1] : vector<512x512xf32> to vector<512xf32>
    %broadcast_in_dim3A_898 = vector.shape_cast %reduce_min3A_897 : vector<512xf32> to vector<512x1xf32>
    %eq3A_899 = vector.broadcast %broadcast_in_dim3A_898 : vector<512x1xf32> to vector<512x512xf32>
    %eq3A_900 = arith.cmpf oeq, %get3A_895, %eq3A_899 : vector<512x512xf32>
    %jit3A_901 = arith.constant 1048576 : i32
    %broadcast_in_dim3A_902 = vector.broadcast %jit3A_901 : i32 to vector<512x512xi32>
    %select_n3A_903 = arith.select %eq3A_900, %iota3A, %broadcast_in_dim3A_902 : vector<512x512xi1>, vector<512x512xi32>
    %reduce_min3A_904 = arith.constant dense<2147483647> : vector<512xi32>
    %reduce_min3A_905 = vector.multi_reduction <minsi>, %select_n3A_903, %reduce_min3A_904 [1] : vector<512x512xi32> to vector<512xi32>
    %broadcast_in_dim3A_906 = vector.shape_cast %reduce_min3A_905 : vector<512xi32> to vector<512x1xi32>
    %swap3A_907 = arith.constant 0 : index
    %swap3A_908 = arith.constant 0 : index
    %swap3A_909 = arith.constant 29 : index
    %swap3A_910 = vector.load %arg6[%swap3A_907, %swap3A_908, %swap3A_909] : memref<1x512x30xi32, #tpu.memory_space<vmem>>, vector<1x512x1xi32>
    %swap3A_911 = vector.shape_cast %swap3A_910 : vector<1x512x1xi32> to vector<512x1xi32>
    %swap3A_912 = vector.shape_cast %broadcast_in_dim3A_906 : vector<512x1xi32> to vector<1x512x1xi32>
    tpu.vector_store %arg6[%swap3A_907, %swap3A_908, %swap3A_909], %swap3A_912 {strides = array<i32>} : memref<1x512x30xi32, #tpu.memory_space<vmem>>, vector<1x512x1xi32>,
    %eq3A_913 = vector.broadcast %broadcast_in_dim3A_906 : vector<512x1xi32> to vector<512x512xi32>
    %eq3A_914 = arith.cmpi eq, %iota3A, %eq3A_913 : vector<512x512xi32>
    %jit3A_915 = arith.constant 0x7F800000 : f32
    %broadcast_in_dim3A_916 = vector.broadcast %jit3A_915 : f32 to vector<512x512xf32>
    %select_n3A_917 = arith.select %eq3A_914, %broadcast_in_dim3A_916, %get3A_895 : vector<512x512xi1>, vector<512x512xf32>
    %swap3A_918 = arith.constant 0 : index
    %swap3A_919 = arith.constant 0 : index
    %swap3A_920 = vector.load %arg7[%swap3A_918, %swap3A_919] : memref<512x512xf32, #tpu.memory_space<vmem>>, vector<512x512xf32>
    tpu.vector_store %arg7[%swap3A_918, %swap3A_919], %select_n3A_917 {strides = array<i32>} : memref<512x512xf32, #tpu.memory_space<vmem>>, vector<512x512xf32>,
    return
  }
  func.func @transform_0(%arg0: i32) -> (i32, i32, i32) {
    %c0_i32 = arith.constant 0 : i32
    %c0_i32_0 = arith.constant 0 : i32
    %c0_i32_1 = arith.constant 0 : i32
    return %arg0, %c0_i32, %c0_i32_0 : i32, i32, i32
  }
  func.func @transform_1(%arg0: i32) -> (i32, i32, i32) {
    %c0_i32 = arith.constant 0 : i32
    %c0_i32_0 = arith.constant 0 : i32
    %c0_i32_1 = arith.constant 0 : i32
    return %arg0, %c0_i32, %c0_i32_0 : i32, i32, i32
  }
  func.func @transform_2(%arg0: i32) -> (i32, i32, i32) {
    %c0_i32 = arith.constant 0 : i32
    %c0_i32_0 = arith.constant 0 : i32
    %c0_i32_1 = arith.constant 0 : i32
    return %arg0, %c0_i32, %c0_i32_0 : i32, i32, i32
  }
  func.func @transform_3(%arg0: i32) -> (i32, i32, i32) {
    %c0_i32 = arith.constant 0 : i32
    %c0_i32_0 = arith.constant 0 : i32
    %c0_i32_1 = arith.constant 0 : i32
    return %arg0, %c0_i32, %c0_i32_0 : i32, i32, i32
  }
  func.func @transform_4(%arg0: i32) -> (i32, i32, i32) {
    %c0_i32 = arith.constant 0 : i32
    %c0_i32_0 = arith.constant 0 : i32
    %c0_i32_1 = arith.constant 0 : i32
    return %arg0, %c0_i32, %c0_i32_0 : i32, i32, i32
  }
  func.func @transform_5(%arg0: i32) -> (i32, i32, i32) {
    %c0_i32 = arith.constant 0 : i32
    %c0_i32_0 = arith.constant 0 : i32
    %c0_i32_1 = arith.constant 0 : i32
    return %arg0, %c0_i32, %c0_i32_0 : i32, i32, i32
  }
}

module attributes {stable_mosaic.version = 14 : i64} {
  func.func @_feat_body(%arg0: i32, %arg1: memref<64x128xf32, #tpu.memory_space<vmem>>, %arg2: memref<1920x128xf32, #tpu.memory_space<vmem>>, %arg3: memref<256x75xf32, #tpu.memory_space<vmem>>, %arg4: memref<75x25xf32, #tpu.memory_space<vmem>>, %arg5: memref<25x400xf32, #tpu.memory_space<vmem>>, %arg6: memref<1x400xf32, #tpu.memory_space<vmem>>, %arg7: memref<128x128xbf16, #tpu.memory_space<vmem>>, %arg8: memref<128x128xbf16, #tpu.memory_space<vmem>>, %arg9: memref<400x128xbf16, #tpu.memory_space<vmem>>, %arg10: memref<400x128xbf16, #tpu.memory_space<vmem>>, %arg11: memref<1x128xf32, #tpu.memory_space<vmem>>, %arg12: memref<1x128xf32, #tpu.memory_space<vmem>>, %arg13: memref<1920x128xf32, #tpu.memory_space<vmem>>) attributes {dimension_semantics = [#tpu.dimension_semantics<arbitrary>], iteration_bounds = array<i64: 16>, scalar_prefetch = 0 : i64, scratch_operands = 0 : i64, tpu.core_type = #tpu.core_type<tc>, window_params = [{transform_indices = @transform_0, window_bounds = array<i64: 64, 128>}, {transform_indices = @transform_1, window_bounds = array<i64: 1920, 128>}, {pipeline_mode = #tpu.pipeline_mode<synchronous>, transform_indices = @transform_2, window_bounds = array<i64: 256, 75>}, {pipeline_mode = #tpu.pipeline_mode<synchronous>, transform_indices = @transform_3, window_bounds = array<i64: 75, 25>}, {pipeline_mode = #tpu.pipeline_mode<synchronous>, transform_indices = @transform_4, window_bounds = array<i64: 25, 400>}, {pipeline_mode = #tpu.pipeline_mode<synchronous>, transform_indices = @transform_5, window_bounds = array<i64: 1, 400>}, {pipeline_mode = #tpu.pipeline_mode<synchronous>, transform_indices = @transform_6, window_bounds = array<i64: 128, 128>}, {pipeline_mode = #tpu.pipeline_mode<synchronous>, transform_indices = @transform_7, window_bounds = array<i64: 128, 128>}, {pipeline_mode = #tpu.pipeline_mode<synchronous>, transform_indices = @transform_8, window_bounds = array<i64: 400, 128>}, {pipeline_mode = #tpu.pipeline_mode<synchronous>, transform_indices = @transform_9, window_bounds = array<i64: 400, 128>}, {pipeline_mode = #tpu.pipeline_mode<synchronous>, transform_indices = @transform_10, window_bounds = array<i64: 1, 128>}, {pipeline_mode = #tpu.pipeline_mode<synchronous>, transform_indices = @transform_11, window_bounds = array<i64: 1, 128>}, {transform_indices = @transform_12, window_bounds = array<i64: 1920, 128>}]} {
    %iota3A = tpu.iota {dimensions = array<i32: 0>} : vector<1920x64xi32>
    %jit3A = arith.constant 30 : i32
    %div3A = vector.broadcast %jit3A : i32 to vector<1920x64xi32>
    %div3A_0 = arith.divsi %iota3A, %div3A : vector<1920x64xi32>
    %sign3A = arith.constant 0 : i32
    %sign3A_1 = vector.broadcast %sign3A : i32 to vector<1920x64xi32>
    %sign3A_2 = arith.cmpi sgt, %iota3A, %sign3A_1 : vector<1920x64xi32>
    %sign3A_3 = arith.extui %sign3A_2 : vector<1920x64xi1> to vector<1920x64xi32>
    %sign3A_4 = arith.constant 0 : i32
    %sign3A_5 = vector.broadcast %sign3A_4 : i32 to vector<1920x64xi32>
    %sign3A_6 = arith.cmpi slt, %iota3A, %sign3A_5 : vector<1920x64xi32>
    %sign3A_7 = arith.extui %sign3A_6 : vector<1920x64xi1> to vector<1920x64xi32>
    %sign3A_8 = arith.subi %sign3A_3, %sign3A_7 : vector<1920x64xi32>
    %sign3A_9 = arith.constant 0 : i32
    %sign3A_10 = arith.cmpi sgt, %jit3A, %sign3A_9 : i32
    %sign3A_11 = arith.extui %sign3A_10 : i1 to i32
    %sign3A_12 = arith.constant 0 : i32
    %sign3A_13 = arith.cmpi slt, %jit3A, %sign3A_12 : i32
    %sign3A_14 = arith.extui %sign3A_13 : i1 to i32
    %sign3A_15 = arith.subi %sign3A_11, %sign3A_14 : i32
    %ne3A = vector.broadcast %sign3A_15 : i32 to vector<1920x64xi32>
    %ne3A_16 = arith.cmpi ne, %sign3A_8, %ne3A : vector<1920x64xi32>
    %rem3A = vector.broadcast %jit3A : i32 to vector<1920x64xi32>
    %rem3A_17 = arith.remsi %iota3A, %rem3A : vector<1920x64xi32>
    %ne3A_18 = arith.constant 0 : i32
    %ne3A_19 = vector.broadcast %ne3A_18 : i32 to vector<1920x64xi32>
    %ne3A_20 = arith.cmpi ne, %rem3A_17, %ne3A_19 : vector<1920x64xi32>
    %and3A = arith.andi %ne3A_16, %ne3A_20 : vector<1920x64xi1>
    %sub3A = arith.constant 1 : i32
    %sub3A_21 = vector.broadcast %sub3A : i32 to vector<1920x64xi32>
    %sub3A_22 = arith.subi %div3A_0, %sub3A_21 : vector<1920x64xi32>
    %select_n3A = arith.select %and3A, %sub3A_22, %div3A_0 : vector<1920x64xi1>, vector<1920x64xi32>
    %iota3A_23 = tpu.iota {dimensions = array<i32: 1>} : vector<1920x64xi32>
    %eq3A = arith.cmpi eq, %select_n3A, %iota3A_23 : vector<1920x64xi32>
    %convert_element_type3A = arith.extui %eq3A : vector<1920x64xi1> to vector<1920x64xi32>
    %convert_element_type3A_24 = arith.sitofp %convert_element_type3A : vector<1920x64xi32> to vector<1920x64xf32>
    %convert_element_type3A_25 = arith.truncf %convert_element_type3A_24 : vector<1920x64xf32> to vector<1920x64xbf16>
    %get3A = arith.constant 0 : index
    %get3A_26 = arith.constant 0 : index
    %get3A_27 = vector.load %arg1[%get3A, %get3A_26] : memref<64x128xf32, #tpu.memory_space<vmem>>, vector<64x128xf32>
    %convert_element_type3A_28 = arith.truncf %get3A_27 : vector<64x128xf32> to vector<64x128xbf16>
    %convert_element_type3A_29 = arith.extf %convert_element_type3A_28 : vector<64x128xbf16> to vector<64x128xf32>
    %sub3A_30 = arith.subf %get3A_27, %convert_element_type3A_29 : vector<64x128xf32>
    %convert_element_type3A_31 = arith.truncf %sub3A_30 : vector<64x128xf32> to vector<64x128xbf16>
    %dot_general3A = arith.constant dense<0.000000e+00> : vector<1920x128xf32>
    %dot_general3A_32 = tpu.matmul %convert_element_type3A_25, %convert_element_type3A_28, %dot_general3A {dimension_numbers = #tpu.dot_dimension_numbers<[1], [0], [0], [1], [0, 0, 1, 1], [], []>, transpose_lhs_hint = false} : vector<1920x64xbf16>, vector<64x128xbf16>, vector<1920x128xf32> -> vector<1920x128xf32>
    %dot_general3A_33 = arith.constant dense<0.000000e+00> : vector<1920x128xf32>
    %dot_general3A_34 = tpu.matmul %convert_element_type3A_25, %convert_element_type3A_31, %dot_general3A_33 {dimension_numbers = #tpu.dot_dimension_numbers<[1], [0], [0], [1], [0, 0, 1, 1], [], []>, transpose_lhs_hint = false} : vector<1920x64xbf16>, vector<64x128xbf16>, vector<1920x128xf32> -> vector<1920x128xf32>
    %add3A = arith.addf %dot_general3A_32, %dot_general3A_34 : vector<1920x128xf32>
    %get3A_35 = arith.constant 0 : index
    %get3A_36 = arith.constant 0 : index
    %get3A_37 = vector.load %arg2[%get3A_35, %get3A_36] : memref<1920x128xf32, #tpu.memory_space<vmem>>, vector<1920x128xf32>
    %convert_element_type3A_38 = arith.truncf %get3A_37 : vector<1920x128xf32> to vector<1920x128xbf16>
    %convert_element_type3A_39 = arith.extf %convert_element_type3A_38 : vector<1920x128xbf16> to vector<1920x128xf32>
    %sub3A_40 = arith.subf %get3A_37, %convert_element_type3A_39 : vector<1920x128xf32>
    %convert_element_type3A_41 = arith.truncf %sub3A_40 : vector<1920x128xf32> to vector<1920x128xbf16>
    %get3A_42 = arith.constant 0 : index
    %get3A_43 = arith.constant 0 : index
    %get3A_44 = vector.load %arg3[%get3A_42, %get3A_43] : memref<256x75xf32, #tpu.memory_space<vmem>>, vector<256x75xf32>
    %convert_element_type3A_45 = arith.truncf %get3A_44 : vector<256x75xf32> to vector<256x75xbf16>
    %convert_element_type3A_46 = arith.truncf %dot_general3A_32 : vector<1920x128xf32> to vector<1920x128xbf16>
    %concatenate3A = tpu.concatenate %convert_element_type3A_46, %convert_element_type3A_38 in 1 : vector<1920x128xbf16>, vector<1920x128xbf16> -> vector<1920x256xbf16>
    %convert_element_type3A_47 = arith.truncf %dot_general3A_34 : vector<1920x128xf32> to vector<1920x128xbf16>
    %concatenate3A_48 = tpu.concatenate %convert_element_type3A_47, %convert_element_type3A_41 in 1 : vector<1920x128xbf16>, vector<1920x128xbf16> -> vector<1920x256xbf16>
    %dot_general3A_49 = arith.constant dense<0.000000e+00> : vector<1920x75xf32>
    %dot_general3A_50 = tpu.matmul %concatenate3A, %convert_element_type3A_45, %dot_general3A_49 {dimension_numbers = #tpu.dot_dimension_numbers<[1], [0], [0], [1], [0, 0, 1, 1], [], []>, transpose_lhs_hint = false} : vector<1920x256xbf16>, vector<256x75xbf16>, vector<1920x75xf32> -> vector<1920x75xf32>
    %dot_general3A_51 = arith.constant dense<0.000000e+00> : vector<1920x75xf32>
    %dot_general3A_52 = tpu.matmul %concatenate3A_48, %convert_element_type3A_45, %dot_general3A_51 {dimension_numbers = #tpu.dot_dimension_numbers<[1], [0], [0], [1], [0, 0, 1, 1], [], []>, transpose_lhs_hint = false} : vector<1920x256xbf16>, vector<256x75xbf16>, vector<1920x75xf32> -> vector<1920x75xf32>
    %add3A_53 = arith.addf %dot_general3A_50, %dot_general3A_52 : vector<1920x75xf32>
    %mul3A = arith.mulf %add3A_53, %add3A_53 : vector<1920x75xf32>
    %convert_element_type3A_54 = arith.truncf %mul3A : vector<1920x75xf32> to vector<1920x75xbf16>
    %convert_element_type3A_55 = arith.extf %convert_element_type3A_54 : vector<1920x75xbf16> to vector<1920x75xf32>
    %sub3A_56 = arith.subf %mul3A, %convert_element_type3A_55 : vector<1920x75xf32>
    %convert_element_type3A_57 = arith.truncf %sub3A_56 : vector<1920x75xf32> to vector<1920x75xbf16>
    %get3A_58 = arith.constant 0 : index
    %get3A_59 = arith.constant 0 : index
    %get3A_60 = vector.load %arg4[%get3A_58, %get3A_59] : memref<75x25xf32, #tpu.memory_space<vmem>>, vector<75x25xf32>
    %convert_element_type3A_61 = arith.truncf %get3A_60 : vector<75x25xf32> to vector<75x25xbf16>
    %dot_general3A_62 = arith.constant dense<0.000000e+00> : vector<1920x25xf32>
    %dot_general3A_63 = tpu.matmul %convert_element_type3A_54, %convert_element_type3A_61, %dot_general3A_62 {dimension_numbers = #tpu.dot_dimension_numbers<[1], [0], [0], [1], [0, 0, 1, 1], [], []>, transpose_lhs_hint = false} : vector<1920x75xbf16>, vector<75x25xbf16>, vector<1920x25xf32> -> vector<1920x25xf32>
    %dot_general3A_64 = arith.constant dense<0.000000e+00> : vector<1920x25xf32>
    %dot_general3A_65 = tpu.matmul %convert_element_type3A_57, %convert_element_type3A_61, %dot_general3A_64 {dimension_numbers = #tpu.dot_dimension_numbers<[1], [0], [0], [1], [0, 0, 1, 1], [], []>, transpose_lhs_hint = false} : vector<1920x75xbf16>, vector<75x25xbf16>, vector<1920x25xf32> -> vector<1920x25xf32>
    %add3A_66 = arith.addf %dot_general3A_63, %dot_general3A_65 : vector<1920x25xf32>
    %add3A_67 = arith.constant 9.99999997E-7 : f32
    %add3A_68 = vector.broadcast %add3A_67 : f32 to vector<1920x25xf32>
    %add3A_69 = arith.addf %add3A_66, %add3A_68 : vector<1920x25xf32>
    %sqrt3A = math.sqrt %add3A_69 : vector<1920x25xf32>
    %convert_element_type3A_70 = arith.truncf %sqrt3A : vector<1920x25xf32> to vector<1920x25xbf16>
    %convert_element_type3A_71 = arith.extf %convert_element_type3A_70 : vector<1920x25xbf16> to vector<1920x25xf32>
    %sub3A_72 = arith.subf %sqrt3A, %convert_element_type3A_71 : vector<1920x25xf32>
    %convert_element_type3A_73 = arith.truncf %sub3A_72 : vector<1920x25xf32> to vector<1920x25xbf16>
    %get3A_74 = arith.constant 0 : index
    %get3A_75 = arith.constant 0 : index
    %get3A_76 = vector.load %arg5[%get3A_74, %get3A_75] : memref<25x400xf32, #tpu.memory_space<vmem>>, vector<25x400xf32>
    %convert_element_type3A_77 = arith.truncf %get3A_76 : vector<25x400xf32> to vector<25x400xbf16>
    %dot_general3A_78 = arith.constant dense<0.000000e+00> : vector<1920x400xf32>
    %dot_general3A_79 = tpu.matmul %convert_element_type3A_70, %convert_element_type3A_77, %dot_general3A_78 {dimension_numbers = #tpu.dot_dimension_numbers<[1], [0], [0], [1], [0, 0, 1, 1], [], []>, transpose_lhs_hint = false} : vector<1920x25xbf16>, vector<25x400xbf16>, vector<1920x400xf32> -> vector<1920x400xf32>
    %dot_general3A_80 = arith.constant dense<0.000000e+00> : vector<1920x400xf32>
    %dot_general3A_81 = tpu.matmul %convert_element_type3A_73, %convert_element_type3A_77, %dot_general3A_80 {dimension_numbers = #tpu.dot_dimension_numbers<[1], [0], [0], [1], [0, 0, 1, 1], [], []>, transpose_lhs_hint = false} : vector<1920x25xbf16>, vector<25x400xbf16>, vector<1920x400xf32> -> vector<1920x400xf32>
    %add3A_82 = arith.addf %dot_general3A_79, %dot_general3A_81 : vector<1920x400xf32>
    %get3A_83 = arith.constant 0 : index
    %get3A_84 = arith.constant 0 : index
    %get3A_85 = vector.load %arg6[%get3A_83, %get3A_84] : memref<1x400xf32, #tpu.memory_space<vmem>>, vector<1x400xf32>
    %sub3A_86 = vector.broadcast %get3A_85 : vector<1x400xf32> to vector<1920x400xf32>
    %sub3A_87 = arith.subf %add3A_82, %sub3A_86 : vector<1920x400xf32>
    %mul3A_88 = arith.constant 8.000000e-01 : f32
    %mul3A_89 = vector.broadcast %mul3A_88 : f32 to vector<1920x400xf32>
    %mul3A_90 = arith.mulf %sub3A_87, %mul3A_89 : vector<1920x400xf32>
    %mul3A_91 = arith.mulf %mul3A_90, %mul3A_90 : vector<1920x400xf32>
    %neg3A = arith.constant 0.000000e+00 : f32
    %neg3A_92 = vector.broadcast %neg3A : f32 to vector<1920x400xf32>
    %neg3A_93 = arith.subf %neg3A_92, %mul3A_91 : vector<1920x400xf32>
    %exp3A = math.exp %neg3A_93 : vector<1920x400xf32>
    %slice3A = vector.extract_strided_slice %add3A {offsets = [0, 15], sizes = [1920, 1], strides = [1, 1]} : vector<1920x128xf32> to vector<1920x1xf32>
    %slice3A_94 = vector.extract_strided_slice %get3A_37 {offsets = [0, 15], sizes = [1920, 1], strides = [1, 1]} : vector<1920x128xf32> to vector<1920x1xf32>
    %slice3A_95 = vector.extract_strided_slice %add3A {offsets = [0, 16], sizes = [1920, 1], strides = [1, 1]} : vector<1920x128xf32> to vector<1920x1xf32>
    %slice3A_96 = vector.extract_strided_slice %get3A_37 {offsets = [0, 16], sizes = [1920, 1], strides = [1, 1]} : vector<1920x128xf32> to vector<1920x1xf32>
    %eq3A_97 = arith.cmpf oeq, %slice3A_95, %slice3A_96 : vector<1920x1xf32>
    %convert_element_type3A_98 = arith.extui %eq3A_97 : vector<1920x1xi1> to vector<1920x1xi32>
    %convert_element_type3A_99 = arith.sitofp %convert_element_type3A_98 : vector<1920x1xi32> to vector<1920x1xf32>
    %sub3A_100 = arith.subf %slice3A, %slice3A_94 : vector<1920x1xf32>
    %add3A_101 = arith.constant 3.200000e+01 : f32
    %add3A_102 = vector.broadcast %add3A_101 : f32 to vector<1920x1xf32>
    %add3A_103 = arith.addf %sub3A_100, %add3A_102 : vector<1920x1xf32>
    %jit3A_104 = arith.constant 0.000000e+00 : f32
    %jit3A_105 = arith.constant 6.400000e+01 : f32
    %max3A = vector.broadcast %jit3A_104 : f32 to vector<1920x1xf32>
    %max3A_106 = arith.maximumf %max3A, %add3A_103 : vector<1920x1xf32>
    %min3A = vector.broadcast %jit3A_105 : f32 to vector<1920x1xf32>
    %min3A_107 = arith.minimumf %min3A, %max3A_106 : vector<1920x1xf32>
    %mul3A_108 = arith.mulf %min3A_107, %convert_element_type3A_99 : vector<1920x1xf32>
    %sub3A_109 = arith.constant 1.000000e+00 : f32
    %sub3A_110 = vector.broadcast %sub3A_109 : f32 to vector<1920x1xf32>
    %sub3A_111 = arith.subf %sub3A_110, %convert_element_type3A_99 : vector<1920x1xf32>
    %mul3A_112 = arith.constant 6.500000e+01 : f32
    %mul3A_113 = vector.broadcast %mul3A_112 : f32 to vector<1920x1xf32>
    %mul3A_114 = arith.mulf %sub3A_111, %mul3A_113 : vector<1920x1xf32>
    %add3A_115 = arith.addf %mul3A_108, %mul3A_114 : vector<1920x1xf32>
    %iota3A_116 = tpu.iota {dimensions = array<i32: 1>} : vector<1920x128xi32>
    %convert_element_type3A_117 = arith.fptosi %add3A_115 : vector<1920x1xf32> to vector<1920x1xi32>
    %eq3A_118 = vector.broadcast %convert_element_type3A_117 : vector<1920x1xi32> to vector<1920x128xi32>
    %eq3A_119 = arith.cmpi eq, %iota3A_116, %eq3A_118 : vector<1920x128xi32>
    %convert_element_type3A_120 = arith.extui %eq3A_119 : vector<1920x128xi1> to vector<1920x128xi32>
    %convert_element_type3A_121 = arith.sitofp %convert_element_type3A_120 : vector<1920x128xi32> to vector<1920x128xf32>
    %convert_element_type3A_122 = arith.truncf %convert_element_type3A_121 : vector<1920x128xf32> to vector<1920x128xbf16>
    %get3A_123 = arith.constant 0 : index
    %get3A_124 = arith.constant 0 : index
    %get3A_125 = vector.load %arg7[%get3A_123, %get3A_124] : memref<128x128xbf16, #tpu.memory_space<vmem>>, vector<128x128xbf16>
    %dot_general3A_126 = arith.constant dense<0.000000e+00> : vector<1920x128xf32>
    %dot_general3A_127 = tpu.matmul %convert_element_type3A_122, %get3A_125, %dot_general3A_126 {dimension_numbers = #tpu.dot_dimension_numbers<[1], [0], [0], [1], [0, 0, 1, 1], [], []>, transpose_lhs_hint = false} : vector<1920x128xbf16>, vector<128x128xbf16>, vector<1920x128xf32> -> vector<1920x128xf32>
    %get3A_128 = arith.constant 0 : index
    %get3A_129 = arith.constant 0 : index
    %get3A_130 = vector.load %arg8[%get3A_128, %get3A_129] : memref<128x128xbf16, #tpu.memory_space<vmem>>, vector<128x128xbf16>
    %dot_general3A_131 = arith.constant dense<0.000000e+00> : vector<1920x128xf32>
    %dot_general3A_132 = tpu.matmul %convert_element_type3A_122, %get3A_130, %dot_general3A_131 {dimension_numbers = #tpu.dot_dimension_numbers<[1], [0], [0], [1], [0, 0, 1, 1], [], []>, transpose_lhs_hint = false} : vector<1920x128xbf16>, vector<128x128xbf16>, vector<1920x128xf32> -> vector<1920x128xf32>
    %add3A_133 = arith.addf %dot_general3A_127, %dot_general3A_132 : vector<1920x128xf32>
    %convert_element_type3A_134 = arith.truncf %exp3A : vector<1920x400xf32> to vector<1920x400xbf16>
    %convert_element_type3A_135 = arith.extf %convert_element_type3A_134 : vector<1920x400xbf16> to vector<1920x400xf32>
    %sub3A_136 = arith.subf %exp3A, %convert_element_type3A_135 : vector<1920x400xf32>
    %convert_element_type3A_137 = arith.truncf %sub3A_136 : vector<1920x400xf32> to vector<1920x400xbf16>
    %get3A_138 = arith.constant 0 : index
    %get3A_139 = arith.constant 0 : index
    %get3A_140 = vector.load %arg9[%get3A_138, %get3A_139] : memref<400x128xbf16, #tpu.memory_space<vmem>>, vector<400x128xbf16>
    %dot_general3A_141 = arith.constant dense<0.000000e+00> : vector<1920x128xf32>
    %dot_general3A_142 = tpu.matmul %convert_element_type3A_134, %get3A_140, %dot_general3A_141 {dimension_numbers = #tpu.dot_dimension_numbers<[1], [0], [0], [1], [0, 0, 1, 1], [], []>, transpose_lhs_hint = false} : vector<1920x400xbf16>, vector<400x128xbf16>, vector<1920x128xf32> -> vector<1920x128xf32>
    %add3A_143 = arith.addf %add3A_133, %dot_general3A_142 : vector<1920x128xf32>
    %get3A_144 = arith.constant 0 : index
    %get3A_145 = arith.constant 0 : index
    %get3A_146 = vector.load %arg9[%get3A_144, %get3A_145] : memref<400x128xbf16, #tpu.memory_space<vmem>>, vector<400x128xbf16>
    %dot_general3A_147 = arith.constant dense<0.000000e+00> : vector<1920x128xf32>
    %dot_general3A_148 = tpu.matmul %convert_element_type3A_137, %get3A_146, %dot_general3A_147 {dimension_numbers = #tpu.dot_dimension_numbers<[1], [0], [0], [1], [0, 0, 1, 1], [], []>, transpose_lhs_hint = false} : vector<1920x400xbf16>, vector<400x128xbf16>, vector<1920x128xf32> -> vector<1920x128xf32>
    %add3A_149 = arith.addf %add3A_143, %dot_general3A_148 : vector<1920x128xf32>
    %get3A_150 = arith.constant 0 : index
    %get3A_151 = arith.constant 0 : index
    %get3A_152 = vector.load %arg10[%get3A_150, %get3A_151] : memref<400x128xbf16, #tpu.memory_space<vmem>>, vector<400x128xbf16>
    %dot_general3A_153 = arith.constant dense<0.000000e+00> : vector<1920x128xf32>
    %dot_general3A_154 = tpu.matmul %convert_element_type3A_134, %get3A_152, %dot_general3A_153 {dimension_numbers = #tpu.dot_dimension_numbers<[1], [0], [0], [1], [0, 0, 1, 1], [], []>, transpose_lhs_hint = false} : vector<1920x400xbf16>, vector<400x128xbf16>, vector<1920x128xf32> -> vector<1920x128xf32>
    %add3A_155 = arith.addf %add3A_149, %dot_general3A_154 : vector<1920x128xf32>
    %reduce_sum3A = arith.constant dense<0.000000e+00> : vector<1920xf32>
    %reduce_sum3A_156 = vector.multi_reduction <add>, %add3A_155, %reduce_sum3A [1] : vector<1920x128xf32> to vector<1920xf32>
    %broadcast_in_dim3A = vector.shape_cast %reduce_sum3A_156 : vector<1920xf32> to vector<1920x1xf32>
    %div3A_157 = arith.constant 1.280000e+02 : f32
    %div3A_158 = vector.broadcast %div3A_157 : f32 to vector<1920x1xf32>
    %div3A_159 = arith.divf %broadcast_in_dim3A, %div3A_158 : vector<1920x1xf32>
    %sub3A_160 = vector.broadcast %div3A_159 : vector<1920x1xf32> to vector<1920x128xf32>
    %sub3A_161 = arith.subf %add3A_155, %sub3A_160 : vector<1920x128xf32>
    %mul3A_162 = arith.mulf %sub3A_161, %sub3A_161 : vector<1920x128xf32>
    %reduce_sum3A_163 = arith.constant dense<0.000000e+00> : vector<1920xf32>
    %reduce_sum3A_164 = vector.multi_reduction <add>, %mul3A_162, %reduce_sum3A_163 [1] : vector<1920x128xf32> to vector<1920xf32>
    %broadcast_in_dim3A_165 = vector.shape_cast %reduce_sum3A_164 : vector<1920xf32> to vector<1920x1xf32>
    %div3A_166 = arith.constant 1.280000e+02 : f32
    %div3A_167 = vector.broadcast %div3A_166 : f32 to vector<1920x1xf32>
    %div3A_168 = arith.divf %broadcast_in_dim3A_165, %div3A_167 : vector<1920x1xf32>
    %add3A_169 = arith.constant 9.99999974E-6 : f32
    %add3A_170 = vector.broadcast %add3A_169 : f32 to vector<1920x1xf32>
    %add3A_171 = arith.addf %div3A_168, %add3A_170 : vector<1920x1xf32>
    %rsqrt3A = math.rsqrt %add3A_171 : vector<1920x1xf32>
    %mul3A_172 = vector.broadcast %rsqrt3A : vector<1920x1xf32> to vector<1920x128xf32>
    %mul3A_173 = arith.mulf %sub3A_161, %mul3A_172 : vector<1920x128xf32>
    %get3A_174 = arith.constant 0 : index
    %get3A_175 = arith.constant 0 : index
    %get3A_176 = vector.load %arg11[%get3A_174, %get3A_175] : memref<1x128xf32, #tpu.memory_space<vmem>>, vector<1x128xf32>
    %mul3A_177 = vector.broadcast %get3A_176 : vector<1x128xf32> to vector<1920x128xf32>
    %mul3A_178 = arith.mulf %mul3A_173, %mul3A_177 : vector<1920x128xf32>
    %get3A_179 = arith.constant 0 : index
    %get3A_180 = arith.constant 0 : index
    %get3A_181 = vector.load %arg12[%get3A_179, %get3A_180] : memref<1x128xf32, #tpu.memory_space<vmem>>, vector<1x128xf32>
    %add3A_182 = vector.broadcast %get3A_181 : vector<1x128xf32> to vector<1920x128xf32>
    %add3A_183 = arith.addf %mul3A_178, %add3A_182 : vector<1920x128xf32>
    %swap3A = arith.constant 0 : index
    %swap3A_184 = arith.constant 0 : index
    %swap3A_185 = vector.load %arg13[%swap3A, %swap3A_184] : memref<1920x128xf32, #tpu.memory_space<vmem>>, vector<1920x128xf32>
    tpu.vector_store %arg13[%swap3A, %swap3A_184], %add3A_183 {strides = array<i32>} : memref<1920x128xf32, #tpu.memory_space<vmem>>, vector<1920x128xf32>,
    return
  }
  func.func @transform_0(%arg0: i32) -> (i32, i32) {
    %c0_i32 = arith.constant 0 : i32
    %c0_i32_0 = arith.constant 0 : i32
    return %arg0, %c0_i32 : i32, i32
  }
  func.func @transform_1(%arg0: i32) -> (i32, i32) {
    %c0_i32 = arith.constant 0 : i32
    %c0_i32_0 = arith.constant 0 : i32
    return %arg0, %c0_i32 : i32, i32
  }
  func.func @transform_2(%arg0: i32) -> (i32, i32) {
    %c0_i32 = arith.constant 0 : i32
    %c0_i32_0 = arith.constant 0 : i32
    %c0_i32_1 = arith.constant 0 : i32
    return %c0_i32, %c0_i32_0 : i32, i32
  }
  func.func @transform_3(%arg0: i32) -> (i32, i32) {
    %c0_i32 = arith.constant 0 : i32
    %c0_i32_0 = arith.constant 0 : i32
    %c0_i32_1 = arith.constant 0 : i32
    return %c0_i32, %c0_i32_0 : i32, i32
  }
  func.func @transform_4(%arg0: i32) -> (i32, i32) {
    %c0_i32 = arith.constant 0 : i32
    %c0_i32_0 = arith.constant 0 : i32
    %c0_i32_1 = arith.constant 0 : i32
    return %c0_i32, %c0_i32_0 : i32, i32
  }
  func.func @transform_5(%arg0: i32) -> (i32, i32) {
    %c0_i32 = arith.constant 0 : i32
    %c0_i32_0 = arith.constant 0 : i32
    %c0_i32_1 = arith.constant 0 : i32
    return %c0_i32, %c0_i32_0 : i32, i32
  }
  func.func @transform_6(%arg0: i32) -> (i32, i32) {
    %c0_i32 = arith.constant 0 : i32
    %c0_i32_0 = arith.constant 0 : i32
    %c0_i32_1 = arith.constant 0 : i32
    return %c0_i32, %c0_i32_0 : i32, i32
  }
  func.func @transform_7(%arg0: i32) -> (i32, i32) {
    %c0_i32 = arith.constant 0 : i32
    %c0_i32_0 = arith.constant 0 : i32
    %c0_i32_1 = arith.constant 0 : i32
    return %c0_i32, %c0_i32_0 : i32, i32
  }
  func.func @transform_8(%arg0: i32) -> (i32, i32) {
    %c0_i32 = arith.constant 0 : i32
    %c0_i32_0 = arith.constant 0 : i32
    %c0_i32_1 = arith.constant 0 : i32
    return %c0_i32, %c0_i32_0 : i32, i32
  }
  func.func @transform_9(%arg0: i32) -> (i32, i32) {
    %c0_i32 = arith.constant 0 : i32
    %c0_i32_0 = arith.constant 0 : i32
    %c0_i32_1 = arith.constant 0 : i32
    return %c0_i32, %c0_i32_0 : i32, i32
  }
  func.func @transform_10(%arg0: i32) -> (i32, i32) {
    %c0_i32 = arith.constant 0 : i32
    %c0_i32_0 = arith.constant 0 : i32
    %c0_i32_1 = arith.constant 0 : i32
    return %c0_i32, %c0_i32_0 : i32, i32
  }
  func.func @transform_11(%arg0: i32) -> (i32, i32) {
    %c0_i32 = arith.constant 0 : i32
    %c0_i32_0 = arith.constant 0 : i32
    %c0_i32_1 = arith.constant 0 : i32
    return %c0_i32, %c0_i32_0 : i32, i32
  }
  func.func @transform_12(%arg0: i32) -> (i32, i32) {
    %c0_i32 = arith.constant 0 : i32
    %c0_i32_0 = arith.constant 0 : i32
    return %arg0, %c0_i32 : i32, i32
  }
}

</mosaic_0001>

<sc_bundles>
// kernel: kernel.5.cloned.1.call-start
scs
__scs_entry_jumppad:
0x0: {  	(pc) =	sbr.rel $0x88, $3  }
0x1: {  	(tag) =	ssettag $0x0;
	lr =	simm.s32 $0x1  }
0x2: {  	[smem:$0x3F99] =	sst lr;
	_ =	strace $0xD0000000  }
0x3: {  	_ = 	snop  }
0x4: {  	_ = 	snop  }
0x5: {  	_ = 	snop  }
0x6: {  	_ = 	snop  }
0x7: {  	_ = 	snop  }
__scs_overlays_trampoline_lowered:
0x8: {  	[smem:$0x3FA8] =	sst s0  }
0x9: {  	[smem:$0x3FA9] =	sst s1  }
0xa: {  	[smem:$0x3FAA] =	sst s2  }
0xb: {  	[smem:$0x3FAB] =	sst s3  }
0xc: {  	[smem:$0x3FAC] =	sst s4  }
0xd: {  	[smem:$0x3FAD] =	sst s5  }
0xe: {  	[smem:$0x3FAE] =	sst s6  }
0xf: {  	[smem:$0x3FAF] =	sst s7  }
0x10: {  	[smem:$0x3FB0] =	sst s8  }
0x11: {  	[smem:$0x3FB1] =	sst s9;
	s0 =	simm.s32 @!p0 $0x0  }
0x12: {  	s1 =	sld [smem:$0x3F97];
	s0 =	simm.s32 @p0 $0x1  }
0x13: {  	[smem:$0x3FB2] =	sst s0;
	s0 =	simm.s32 @!p1 $0x0  }
0x14: {  	s2 =	sld [smem:$0x3F96];
	s0 =	simm.s32 @p1 $0x1  }
0x15: {  	[smem:$0x3FB3] =	sst s0;
	s0 =	simm.s32 @!p2 $0x0  }
0x16: {  	s3 =	sld [smem:$0x3FDB];
	s0 =	simm.s32 @p2 $0x1  }
0x17: {  	s4 =	simm.s32 $0x1BF5;
	[smem:$0x3FB5] =	sst s0  }
0x18: {  	s0 =	sld [smem:$0x3F98];
	_ =	swait.ge [sflag:s4], $0x0  }
0x19: {  	s7 =	sld [smem:$0x3F99]  }
0x1a: {  	s8 =	sadd.s32 $0xFFFFE003, lr  }
0x1b: {  	s9 =	sadd.s32 $0xFFFFFEF7, lr;
	s5 =	simm.s32 $0xFFFFFFFF;
	p2 =	slt.u32 s8, $0xFFFFF086  }
0x1c: {  	p1 =	slt.u32 s9, $0xF7A;
	s5 =	simm.s32 @!p2 $0x0  }
0x1d: {  	s5 =	simm.s32 @p1 $0x1;
	p0 =	seq.s32 s7, s2  }
0x1e: {  	s7 =	smul.u32 @!p0 $0xF7A, s2;
	p2 =	seq.s32 @!p0 s5, $0x0  }
0x1f: {  	s9 =	smul.u32 $0xF7A, s1;
	s8 =	simm.s32 @!p0 $0x1BF5;
	p2 =	por !p2, p0  }
0x20: {  	[sflag:s8] =	ssyncset.s32 @!p0 $0xFFFFF086;
	s6 =	sadd.s32 @!p0 s3, s7;
	s7 =	simm.s32 @!p0 $0x108  }
0x21: {  	s3 =	sadd.s32 s3, s9;
	s6 =	sadd.s32 @!p0 $0x88, s6;
	s7 =	simm.s32 @p2 $0x1082  }
0x22: {  	[simem:s7], [sflag:s8] =	dma.local @!p0 [hbm:s6], $0xF7A  }
0x23: {  	s9 =	sor.u32 $0xD0000000, s2;
	s6 =	simm.s32 $0x108;
	_ =	swait.ge @!p0 [sflag:s8], $0x0  }
0x24: {  	s3 =	sadd.s32 $0x88, s3;
	s6 =	simm.s32 @!p1 $0x1082;
	[sflag:s4] =	ssyncset.s32 $0xFFFFF086  }
0x25: {  	[simem:s6], [sflag:s4] =	dma.local [hbm:s3], $0xF7A  }
0x26: {  	[smem:$0x3F99] =	sst s1;
	(tag) =	ssettag s2;
	_ =	strace s9  }
0x27: {  	s1 =	sld [smem:$0x3FA9]  }
0x28: {  	s2 =	sld [smem:$0x3FAA]  }
0x29: {  	s4 =	sld [smem:$0x3FAC]  }
0x2a: {  	p0 =	seq.s32 s5, $0x0;
	s5 =	sld [smem:$0x3FAD]  }
0x2b: {  	s6 =	sld [smem:$0x3FAE]  }
0x2c: {  	s7 =	sld [smem:$0x3FAF]  }
0x2d: {  	s3 =	simm.s32 $0x108;
	s8 =	sld [smem:$0x3FB0]  }
0x2e: {  	s3 =	simm.s32 @!p0 $0x1082;
	s9 =	sld [smem:$0x3FB1]  }
0x2f: {  	lr =	sadd.s32 s0, s3;
	s0 =	sld [smem:$0x3FA8]  }
0x30: {  	s3 =	sld [smem:$0x3FAB]  }
0x31: {  	[smem:$0x3FB4] =	sst s10  }
0x32: {  	s10 =	sld [smem:$0x3FB2];
	_ =	sdelay $0x3  }
0x33: {  	p0 =	seq.s32 s10, $0x1;
	s10 =	sld [smem:$0x3FB4];
	_ =	sdelay $0x3  }
0x34: {  	[smem:$0x3FB4] =	sst s10  }
0x35: {  	s10 =	sld [smem:$0x3FB3];
	_ =	sdelay $0x3  }
0x36: {  	p1 =	seq.s32 s10, $0x1;
	s10 =	sld [smem:$0x3FB4];
	_ =	sdelay $0x3  }
0x37: {  	[smem:$0x3FB4] =	sst s10  }
0x38: {  	s10 =	sld [smem:$0x3FB5]  }
0x39: {  	_ = 	snop;
	(pc) =	sbr.ind lr, $3  }
0x3a: {  	_ = 	snop  }
0x3b: {  	_ = 	snop  }
0x3c: {  	p2 =	seq.s32 s10, $0x1;
	s10 =	sld [smem:$0x3FB4]  }
0x3d: {  	_ =	shalt  }
0x3e: {  	_ =	shalt  }
0x3f: {  	_ =	shalt  }
0x40: {  	_ =	shalt  }
0x41: {  	_ =	shalt  }
0x42: {  	_ =	shalt  }
0x43: {  	_ =	shalt  }
0x44: {  	_ =	shalt  }
0x45: {  	_ =	shalt  }
0x46: {  	_ =	shalt  }
0x47: {  	_ =	shalt  }
0x48: {  	_ =	shalt  }
0x49: {  	_ =	shalt  }
0x4a: {  	_ =	shalt  }
0x4b: {  	_ =	shalt  }
0x4c: {  	_ =	shalt  }
0x4d: {  	_ =	shalt  }
0x4e: {  	_ =	shalt  }
0x4f: {  	_ =	shalt  }
0x50: {  	_ =	shalt  }
0x51: {  	_ =	shalt  }
0x52: {  	_ =	shalt  }
0x53: {  	_ =	shalt  }
0x54: {  	_ =	shalt  }
0x55: {  	_ =	shalt  }
0x56: {  	_ =	shalt  }
0x57: {  	_ =	shalt  }
0x58: {  	_ =	shalt  }
0x59: {  	_ =	shalt  }
0x5a: {  	_ =	shalt  }
0x5b: {  	_ =	shalt  }
0x5c: {  	_ =	shalt  }
0x5d: {  	_ =	shalt  }
0x5e: {  	_ =	shalt  }
0x5f: {  	_ =	shalt  }
0x60: {  	_ =	shalt  }
0x61: {  	_ =	shalt  }
0x62: {  	_ =	shalt  }
0x63: {  	_ =	shalt  }
0x64: {  	_ =	shalt  }
0x65: {  	_ =	shalt  }
0x66: {  	_ =	shalt  }
0x67: {  	_ =	shalt  }
0x68: {  	_ =	shalt  }
0x69: {  	_ =	shalt  }
0x6a: {  	_ =	shalt  }
0x6b: {  	_ =	shalt  }
0x6c: {  	_ =	shalt  }
0x6d: {  	_ =	shalt  }
0x6e: {  	_ =	shalt  }
0x6f: {  	_ =	shalt  }
0x70: {  	_ =	shalt  }
0x71: {  	_ =	shalt  }
0x72: {  	_ =	shalt  }
0x73: {  	_ =	shalt  }
0x74: {  	_ =	shalt  }
0x75: {  	_ =	shalt  }
0x76: {  	_ =	shalt  }
0x77: {  	_ =	shalt  }
0x78: {  	_ =	shalt  }
0x79: {  	_ =	shalt  }
0x7a: {  	_ =	shalt  }
0x7b: {  	_ =	shalt  }
0x7c: {  	_ =	shalt  }
0x7d: {  	_ =	shalt  }
0x7e: {  	_ =	shalt  }
0x7f: {  	_ =	shalt  }
0x80: {  	_ =	shalt  }
0x81: {  	_ =	shalt  }
0x82: {  	_ =	shalt  }
0x83: {  	_ =	shalt  }
0x84: {  	_ =	shalt  }
0x85: {  	_ =	shalt  }
0x86: {  	_ =	shalt  }
0x87: {  	_ =	shalt  }
.Lfunc_end0:
.L_simem_size_0:
called_computation_lowered:
.L_overlay_start_0:
0x88: {  	s2 =	sld [smem:$0x3FD9]  }
0x89: {  	s3 =	sld [smem:$0x3FFE];
	_ =	sdelay $0x1  }
0x8a: {  	s1 =	srdreg.scid  }
0x8b: {  	s0 =	sand.u32 $0x1, s1  }
0x8c: {  	s14 =	sshll.u32 s0, $0xA;
	s2 =	sadd.s32 s3, s2  }
0x8d: {  	s2 =	sadd.s32 s2, s14  }
0x8e: {  	[smem:$0x3FC0] =	sst s2  }
0x8f: {  	_ = 	snop  }
0x90: {  	s2 =	sld [smem:$0x3FD0];
	_ =	sdelay $0x2  }
0x91: {  	s15 =	simm.s32 $0xA;
	s4 =	simm.s32 $0x10  }
0x92: {  	[smem:s4], [sflag:s15] =	dma.local [hbm:s2], $0x1  }
0x93: {  	_ =	swait.eq [sflag:s15], $0x1  }
0x94: {  	[sflag:s15] =	ssyncset.done $0x0  }
0x95: {  	[sflag:s15] =	ssyncadd.s32 $0xFFFFFFFF  }
0x96: {  	s16 =	sld [smem:$0x10];
	(tm) =	ssettm $0x1  }
0x97: {  	s17 =	sld [smem:$0x3FFB];
	_ =	sdelay $0x3  }
0x98: {  	_ =	strace s17  }
0x99: {  	s3 =	sld [smem:$0x3FFC];
	_ =	sdelay $0x3  }
0x9a: {  	_ =	strace s3  }
0x9b: {  	s3 =	sld [smem:$0x3FFD];
	_ =	sdelay $0x3  }
0x9c: {  	_ =	strace s3  }
0x9d: {  	_ =	strace $0x8FFFFFFF  }
0x9e: {  	s18 =	sld [smem:$0x3FDB];
	_ =	sdelay $0x1  }
0x9f: {  	s19 =	simm.s32 $_scs_section_size  }
0xa0: {  	s5 =	simm.s32 $_size__tile_overlayer_lowered;
	s6 =	simm.s32 $_tile_overlayer_lowered  }
0xa1: {  	s22 =	simm.s32 $0x1BFF;
	s21 =	sshll.u32 s6, $0x1;
	s3 =	sadd.s32 s19, s18  }
0xa2: {  	s7 =	simm.s32 $0x0;
	s20 =	sshll.u32 s5, $0x1;
	s5 =	sadd.s32 s21, s3  }
0xa3: {  	[timem:s7], [sflag:s22] =	dma.local [hbm:s5], s20  }
0xa4: {  	_ =	swait.ge [sflag:s22], s20  }
0xa5: {  	s4 =	ssub.s32 $0x0, s20;
	[sflag:s22] =	ssyncset.done $0x0  }
0xa6: {  	[sflag:s22] =	ssyncadd.s32 s4;
	_ =	sdelay $0x1  }
0xa7: {  	s23 =	simm.s32 $0x1B8B  }
0xa8: {  	_ =	swait.ge [sflag:s23], $0x1  }
0xa9: {  	[sflag:s23] =	ssyncset.done $0x0  }
0xaa: {  	s25 =	simm.s32 $0x1B8E;
	s24 =	sld [smem:$0x3FFE];
	[sflag:s23] =	ssyncadd.s32 $0xFFFFFFFF  }
0xab: {  	s26 =	simm.s32 $execute0_lowered;
	[smem:$0x3FD2] =	sst s25  }
0xac: {  	s5 =	sshll.u32 s26, $0x1;
	_ =	strace $0x80000046;
	[dreg:$0x1] =	wrdreg $0xFFFFFFFF  }
0xad: {  	s28 =	simm.s32 $_size_execute0_lowered;
	s3 =	sadd.s32 s3, s5;
	[dreg:$0x0] =	wrdreg $0x0  }
0xae: {  	s5 =	sshll.u32 s28, $0x1;
	[dreg:$0x2] =	wrdreg s3  }
0xaf: {  	[dreg:$0x3] =	wrdreg s5  }
0xb0: {  	[dreg:$0x4] =	wrdreg $0xC0  }
0xb1: {  	_ =	task [dreg:s7], $0x5FFFF  }
0xb2: {  	[dreg:$0x1] =	wrdreg $0xFFFFFFFF  }
0xb3: {  	[dreg:$0x0] =	wrdreg $0x60  }
0xb4: {  	[dreg:$0x2] =	wrdreg s24  }
0xb5: {  	[dreg:$0x3] =	wrdreg s16  }
0xb6: {  	[dreg:$0x4] =	wrdreg $0x9  }
0xb7: {  	_ =	task.clear_ibuf [dreg:s7], $0x5FFFF;
	_ =	strace $0x90000046  }
0xb8: {  	s29 =	simm.s32 $0x9;
	_ =	strace $0x80000048  }
0xb9: {  	_ =	swait.ge [sflag:s29], $0x1  }
0xba: {  	[sflag:s29] =	ssyncadd.s32 $0xFFFFFFFF  }
0xbb: {  	_ =	strace $0x90000048  }
0xbc: {  	_ =	sfence  }
0xbd: {  	s30 =	sld [smem:$0x0];
	_ =	sdelay $0x2  }
0xbe: {  	s31 =	sshll.u32 s1, $0xD;
	s1 =	sshrl.u32 s1, $0x2  }
0xbf: {  	s3 =	sand.u32 $0x4000, s31;
	s1 =	sadd.s32 s1, s30  }
0xc0: {  	s0 =	sor.u32 s3, s0;
	s1 =	sshll.u32 s1, $0x11  }
0xc1: {  	s0 =	sor.u32 s1, s0  }
0xc2: {  	s0 =	sadd.s32 $0x8F2B, s0  }
0xc3: {  	[sflag:s0] =	ssyncadd.remote.s32 $0x1  }
0xc4: {  	_ =	sfence.sel $0xFFFF  }
0xc5: {  	[dreg:$0x0] =	wrdreg $0xFFFFFFFF;
	(pc) =	sbr.abs _section_cstart, $3  }
0xc6: {  	[dreg:$0x1] =	wrdreg $0xFFFFFFFF  }
0xc7: {  	_ =	task.clear_ibuf [dreg:s7], $0x2FFFF;
	_ =	strace $0x9FFFFFFF  }
0xc8: {  	(tm) =	ssettm $0x7FFFFFFF  }
0xc9: {  	_ =	shalt  }
tec
execute0_lowered:
.L_overlay_start_1:
0x0: {  	(tag) =	ssettag $0x1  }
0x1: {  	s1 =	srdreg.scid;
	s0 =	stileid.u32  }
0x2: {  	s20 =	sand.u32 $0x1, s1;
	s30 =	sshll.u32 s0, $0x1  }
0x3: {  	s5 =	rddreg [dreg:$0x0];
	s23 =	sor.u32 s20, s30  }
0x4: {  	s22 =	rddreg [dreg:$0x1];
	s3 =	smul.u32 $0x78, s23  }
0x5: {  	s2 =	simm.s32 $0x0;
	s1 =	rddreg [dreg:$0x2]  }
0x6: {  	[smem:$0x7FF] =	sst s2;
	s3 =	sadd.s32 s3, s5  }
0x7: {  	_ =	strace $0x80000047;
	s4 =	sadd.s32 $0x5E00, s3;
	s3 =	simm.s32 $0x2  }
0x8: {  	[tilespmem:s2], [sflag:$0x2] =	stream.linear.gather [hbm4b:s4+s2], $0x3C0, $0x38;
	[tilespmem:$0x1E400] =	vst v63  }
0x9: {  	_ =	swait.ge [sflag:s3], $0x3C0  }
0xa: {  	s6 =	simm.s32 $0x78;
	s7 =	simm.s32 $0x400;
	[sflag:s3] =	ssyncset.done $0x0  }
0xb: {  	s8 =	simm.s32 $0x1;
	s5 =	sadd.s32 $0x1E00, s5;
	[sflag:s3] =	ssyncadd.s32 $0xFFFFFC40  }
0xc: {  	[tilespmem:s7], [sflag:$0x1] =	stream.indirect.gather [hbm4b:s5+s6], $0x80, s2, s6, $0xb8;
	[tilespmem:$0x1E400] =	vst v63  }
0xd: {  	_ =	swait.ge [sflag:s8], $0x3C00  }
0xe: {  	[sflag:s8] =	ssyncset.done $0x0  }
0xf: {  	s9 =	simm.s32 $0x4000;
	[sflag:s8] =	ssyncadd.s32 $0xFFFFC400  }
0x10: {  	[tilespmem:s9], [sflag:$0x1] =	stream.indirect.gather [hbm4b:s5+s6], $0x80, s6, s6, $0xb8;
	[tilespmem:$0x1E400] =	vst v63  }
0x11: {  	_ =	swait.ge [sflag:s8], $0x3C00  }
0x12: {  	[sflag:s8] =	ssyncset.done $0x0  }
0x13: {  	s10 =	simm.s32 $0xF0;
	s11 =	simm.s32 $0x7C00;
	[sflag:s8] =	ssyncadd.s32 $0xFFFFC400  }
0x14: {  	[tilespmem:s11], [sflag:$0x1] =	stream.indirect.gather [hbm4b:s5+s6], $0x80, s10, s6, $0xb8;
	[tilespmem:$0x1E400] =	vst v63  }
0x15: {  	_ =	swait.ge [sflag:s8], $0x3C00  }
0x16: {  	[sflag:s8] =	ssyncset.done $0x0  }
0x17: {  	s12 =	simm.s32 $0x168;
	s13 =	simm.s32 $0xB800;
	[sflag:s8] =	ssyncadd.s32 $0xFFFFC400  }
0x18: {  	[tilespmem:s13], [sflag:$0x1] =	stream.indirect.gather [hbm4b:s5+s6], $0x80, s12, s6, $0xb8;
	[tilespmem:$0x1E400] =	vst v63  }
0x19: {  	_ =	swait.ge [sflag:s8], $0x3C00  }
0x1a: {  	[sflag:s8] =	ssyncset.done $0x0  }
0x1b: {  	s14 =	simm.s32 $0x1E0;
	s15 =	simm.s32 $0xF400;
	[sflag:s8] =	ssyncadd.s32 $0xFFFFC400  }
0x1c: {  	[tilespmem:s15], [sflag:$0x1] =	stream.indirect.gather [hbm4b:s5+s6], $0x80, s14, s6, $0xb8;
	[tilespmem:$0x1E400] =	vst v63  }
0x1d: {  	_ =	swait.ge [sflag:s8], $0x3C00  }
0x1e: {  	[sflag:s8] =	ssyncset.done $0x0  }
0x1f: {  	s16 =	simm.s32 $0x258;
	s17 =	simm.s32 $0x13000;
	[sflag:s8] =	ssyncadd.s32 $0xFFFFC400  }
0x20: {  	[tilespmem:s17], [sflag:$0x1] =	stream.indirect.gather [hbm4b:s5+s6], $0x80, s16, s6, $0xb8;
	[tilespmem:$0x1E400] =	vst v63  }
0x21: {  	_ =	swait.ge [sflag:s8], $0x3C00  }
0x22: {  	s18 =	simm.s32 $0x2D0;
	[sflag:s8] =	ssyncset.done $0x0  }
0x23: {  	s19 =	simm.s32 $0x16C00;
	s24 =	ssub.s32 $0x2, s20;
	[sflag:s8] =	ssyncadd.s32 $0xFFFFC400  }
0x24: {  	[tilespmem:s19], [sflag:$0x1] =	stream.indirect.gather [hbm4b:s5+s6], $0x80, s18, s6, $0xb8;
	[tilespmem:$0x1E400] =	vst v63  }
0x25: {  	s25 =	sshrl.u32 s24, $0x1;
	_ =	swait.ge [sflag:s8], $0x3C00  }
0x26: {  	s21 =	simm.s32 $0x1A800;
	s24 =	ssub.s32 s24, s25;
	[sflag:s8] =	ssyncset.done $0x0  }
0x27: {  	s20 =	simm.s32 $0x348;
	s31 =	smax.u32 s24, $0x1;
	[sflag:s8] =	ssyncadd.s32 $0xFFFFC400  }
0x28: {  	[tilespmem:s21], [sflag:$0x1] =	stream.indirect.gather [hbm4b:s5+s6], $0x80, s20, s6, $0xb8;
	[tilespmem:$0x1E400] =	vst v63  }
0x29: {  	s23 =	smul.u32 $0x3C00, s23;
	p0 =	sne.s32 s31, $0x1;
	_ =	swait.ge [sflag:s8], $0x3C00  }
.Ltmp0:
0x2a: {  	[sflag:s8] =	ssyncset.done $0x0;
	(pc) =	sbr.rel @!p0 .LBB2_2-.Ltmp0, $4  }
0x2b: {  	s22 =	sadd.s32 s22, s23;
	[sflag:s8] =	ssyncadd.s32 $0xFFFFC400  }
0x2c: {  	[hbm4b:s22+s2] =	stream.linear.scatter [tilespmem:s7], [sflag:$0x2], $0x1E000, $0x38;
	[tilespmem:$0x1E400] =	vst v63  }
0x2d: {  	_ =	swait.ge [sflag:s3], $0x1E000  }
0x2e: {  	s23 =	sadd.s32 $0xFFFFFFFF, s31;
	[sflag:s3] =	ssyncset.done $0x0  }
.LBB2_1:
0x2f: {  	p0 =	sne.s32 s23, $0x1;
	s23 =	sadd.s32 $0xFFFFFFFF, s23;
	[sflag:s3] =	ssyncadd.s32 $0xFFFE2000  }
0x30: {  	[tilespmem:s2], [sflag:$0x2] =	stream.linear.gather [hbm4b:s4+s2], $0x3C0, $0x38;
	[tilespmem:$0x1E400] =	vst v63  }
0x31: {  	_ =	swait.ge [sflag:s3], $0x3C0  }
0x32: {  	[sflag:s3] =	ssyncset.done $0x0  }
0x33: {  	[sflag:s3] =	ssyncadd.s32 $0xFFFFFC40  }
0x34: {  	[tilespmem:s7], [sflag:$0x1] =	stream.indirect.gather [hbm4b:s5+s6], $0x80, s2, s6, $0xb8;
	[tilespmem:$0x1E400] =	vst v63  }
0x35: {  	_ =	swait.ge [sflag:s8], $0x3C00  }
0x36: {  	[sflag:s8] =	ssyncset.done $0x0  }
0x37: {  	[sflag:s8] =	ssyncadd.s32 $0xFFFFC400  }
0x38: {  	[tilespmem:s9], [sflag:$0x1] =	stream.indirect.gather [hbm4b:s5+s6], $0x80, s6, s6, $0xb8;
	[tilespmem:$0x1E400] =	vst v63  }
0x39: {  	_ =	swait.ge [sflag:s8], $0x3C00  }
0x3a: {  	[sflag:s8] =	ssyncset.done $0x0  }
0x3b: {  	[sflag:s8] =	ssyncadd.s32 $0xFFFFC400  }
0x3c: {  	[tilespmem:s11], [sflag:$0x1] =	stream.indirect.gather [hbm4b:s5+s6], $0x80, s10, s6, $0xb8;
	[tilespmem:$0x1E400] =	vst v63  }
0x3d: {  	_ =	swait.ge [sflag:s8], $0x3C00  }
0x3e: {  	[sflag:s8] =	ssyncset.done $0x0  }
0x3f: {  	[sflag:s8] =	ssyncadd.s32 $0xFFFFC400  }
0x40: {  	[tilespmem:s13], [sflag:$0x1] =	stream.indirect.gather [hbm4b:s5+s6], $0x80, s12, s6, $0xb8;
	[tilespmem:$0x1E400] =	vst v63  }
0x41: {  	_ =	swait.ge [sflag:s8], $0x3C00  }
0x42: {  	[sflag:s8] =	ssyncset.done $0x0  }
0x43: {  	[sflag:s8] =	ssyncadd.s32 $0xFFFFC400  }
0x44: {  	[tilespmem:s15], [sflag:$0x1] =	stream.indirect.gather [hbm4b:s5+s6], $0x80, s14, s6, $0xb8;
	[tilespmem:$0x1E400] =	vst v63  }
0x45: {  	_ =	swait.ge [sflag:s8], $0x3C00  }
0x46: {  	[sflag:s8] =	ssyncset.done $0x0  }
0x47: {  	[sflag:s8] =	ssyncadd.s32 $0xFFFFC400  }
0x48: {  	[tilespmem:s17], [sflag:$0x1] =	stream.indirect.gather [hbm4b:s5+s6], $0x80, s16, s6, $0xb8;
	[tilespmem:$0x1E400] =	vst v63  }
0x49: {  	_ =	swait.ge [sflag:s8], $0x3C00  }
0x4a: {  	[sflag:s8] =	ssyncset.done $0x0  }
0x4b: {  	[sflag:s8] =	ssyncadd.s32 $0xFFFFC400  }
0x4c: {  	[tilespmem:s19], [sflag:$0x1] =	stream.indirect.gather [hbm4b:s5+s6], $0x80, s18, s6, $0xb8;
	[tilespmem:$0x1E400] =	vst v63  }
0x4d: {  	_ =	swait.ge [sflag:s8], $0x3C00  }
0x4e: {  	[sflag:s8] =	ssyncset.done $0x0  }
0x4f: {  	[sflag:s8] =	ssyncadd.s32 $0xFFFFC400  }
0x50: {  	[tilespmem:s21], [sflag:$0x1] =	stream.indirect.gather [hbm4b:s5+s6], $0x80, s20, s6, $0xb8;
	[tilespmem:$0x1E400] =	vst v63  }
0x51: {  	_ =	swait.ge [sflag:s8], $0x3C00  }
.Ltmp1:
0x52: {  	[sflag:s8] =	ssyncset.done $0x0;
	(pc) =	sbr.rel @p0 .LBB2_1-.Ltmp1, $4  }
0x53: {  	[sflag:s8] =	ssyncadd.s32 $0xFFFFC400  }
0x54: {  	[hbm4b:s22+s2] =	stream.linear.scatter [tilespmem:s7], [sflag:$0x2], $0x1E000, $0x38;
	[tilespmem:$0x1E400] =	vst v63  }
0x55: {  	_ =	swait.ge [sflag:s3], $0x1E000  }
0x56: {  	[sflag:s3] =	ssyncset.done $0x0  }
.LBB2_2:
0x57: {  	[sflag:s3] =	ssyncadd.s32 $0xFFFE2000  }
0x58: {  	_ =	sfence.sel $0x180000  }
0x59: {  	[bflag:$0x0] =	sbarrier.arrive $0xFFFF  }
0x5a: {  	p0 =	sne.s32 s0, $0x0;
	_ =	strace $0x90000047  }
0x5b: {  	s0 =	sadd.s32 @!p0 $0x100000, s1;
	[bflag:$0x2] =	sbarrier.arrive $0xFFFF  }
0x5c: {  	[sflag:s0] =	ssyncadd.tile.s32 @!p0 $0x1;
	_ =	shalt  }
.Lfunc_end2:
_tile_overlayer_lowered:
.L_overlay_start_2:
0x5d: {  	(tag) =	ssettag $0x2  }
0x5e: {  	s0 =	rddreg [dreg:$0x0];
	s2 =	stileid.u32  }
0x5f: {  	s1 =	rddreg [dreg:$0x1];
	p0 =	sne.s32 s2, $0x0  }
0x60: {  	s3 =	rddreg [dreg:$0x2];
	[bflag:$0x3] =	sbarrier.arrive $0xFFFF;
	s2 =	simm.s32 @!p0 $0x1C02  }
0x61: {  	[timem:s3], [sflag:s2] =	dma.local @!p0 [hbm:s0], s1  }
0x62: {  	s0 =	simm.s32 @!p0 $0x2  }
0x63: {  	_ =	swait.ge @!p0 [sflag:s0], s1  }
0x64: {  	s1 =	ssub.s32 @!p0 $0x0, s1;
	[sflag:s0] =	ssyncset.done @!p0 $0x0  }
0x65: {  	[sflag:s0] =	ssyncadd.s32 @!p0 s1  }
0x66: {  	[bflag:$0x3] =	sbarrier.arrive $0xFFFF  }
0x67: {  	_ =	shalt  }

</sc_bundles>
